<compile_context>
chip_gen: v7x
topology: tpu7x:2x2x1
jax: 0.10.2.dev20260603
libtpu: 0.0.44.dev20260713+nightly
codegen_flags: <defaults>
</compile_context>

<pallas_src>
import functools

import jax
import jax.numpy as jnp
from jax import lax
from jax.experimental import pallas as pl
from jax.experimental.pallas import tpu as pltpu
from jax.experimental.pallas import tpu_sc as plsc

N = 10000
NP = 10240
IN = 128
H = 4
C = 32
HC = H * C
HH = HC // 2
AW = 16
T = 512
LEAK = 0.2
NTILES = 16
ROWS_PER_TILE = NP // NTILES



def _prep_body(x_ref, w_ref, a1_ref, a2_ref, h0_ref, h1_ref, aa1_ref, aa2_ref):
    h = jnp.dot(x_ref[...], w_ref[...], preferred_element_type=jnp.float32)
    h0_ref[...] = h[:, :HH]
    h1_ref[...] = h[:, HH:]
    aa1_ref[...] = jnp.dot(h, a1_ref[...], preferred_element_type=jnp.float32)
    aa2_ref[...] = jnp.dot(h, a2_ref[...], preferred_element_type=jnp.float32)


def _prep(xp, W, A1, A2):
    bn = 1024
    return pl.pallas_call(
        _prep_body,
        grid=(NP // bn,),
        in_specs=[
            pl.BlockSpec((bn, IN), lambda i: (i, 0)),
            pl.BlockSpec((IN, HC), lambda i: (0, 0)),
            pl.BlockSpec((HC, AW), lambda i: (0, 0)),
            pl.BlockSpec((HC, AW), lambda i: (0, 0)),
        ],
        out_specs=[
            pl.BlockSpec((bn, HH), lambda i: (i, 0)),
            pl.BlockSpec((bn, HH), lambda i: (i, 0)),
            pl.BlockSpec((bn, AW), lambda i: (i, 0)),
            pl.BlockSpec((bn, AW), lambda i: (i, 0)),
        ],
        out_shape=[
            jax.ShapeDtypeStruct((NP, HH), jnp.float32),
            jax.ShapeDtypeStruct((NP, HH), jnp.float32),
            jax.ShapeDtypeStruct((NP, AW), jnp.float32),
            jax.ShapeDtypeStruct((NP, AW), jnp.float32),
        ],
    )(xp, W, A1, A2)



def _make_edge_kernel(rounds):
    mesh = plsc.VectorSubcoreMesh(core_axis_name="c", subcore_axis_name="s")
    idx_rows = T // 128
    sub_rows = rounds * idx_rows

    @functools.partial(
        pl.kernel,
        out_type=[
            jax.ShapeDtypeStruct((NP, HH), jnp.float32),
            jax.ShapeDtypeStruct((NP, HH), jnp.float32),
            jax.ShapeDtypeStruct((NP, AW), jnp.float32),
            jax.ShapeDtypeStruct((NP, AW), jnp.float32),
        ],
        mesh=mesh,
        compiler_params=pltpu.CompilerParams(use_tc_tiling_on_sc=False),
        scratch_types=[
            pltpu.VMEM((idx_rows, 128), jnp.int32),
            pltpu.VMEM((idx_rows, 128), jnp.int32),
            pltpu.VMEM((T, AW), jnp.float32),
            pltpu.VMEM((T, AW), jnp.float32),
            pltpu.VMEM((T, AW), jnp.float32),
            pltpu.VMEM((T, HH), jnp.float32),
            pltpu.SemaphoreType.DMA,
            pltpu.VMEM_SHARED((NP, HH), jnp.float32),
            pltpu.VMEM_SHARED((NP, AW), jnp.float32),
        ],
    )
    def edge_kernel(h0_hbm, h1_hbm, aa1_hbm, aa2_hbm, src_hbm, dst_hbm,
                    znum_hbm, zden_hbm, num0_hbm, num1_hbm, den0_hbm, den1_hbm,
                    src_v, dst_v, g1, g2, wv, hg, sem, num_sp, den_sp):
        cid = lax.axis_index("c")
        sid = lax.axis_index("s")
        r0 = sid * ROWS_PER_TILE

        pltpu.sync_copy(znum_hbm.at[pl.ds(r0, ROWS_PER_TILE)],
                        num_sp.at[pl.ds(r0, ROWS_PER_TILE)])
        pltpu.sync_copy(zden_hbm.at[pl.ds(r0, ROWS_PER_TILE)],
                        den_sp.at[pl.ds(r0, ROWS_PER_TILE)])
        plsc.subcore_barrier()

        def scale_loop(l0):
            def edge_one(t, c2):
                v = g1[t, :] + g2[t, :]
                a = jnp.where(v >= 0.0, v, v * LEAK)
                w = jnp.exp(a)
                wv[t, :] = w
                for hh in range(2):
                    b = w[l0 + hh]
                    for q in range(2):
                        s2 = pl.ds(hh * C + q * 16, 16)
                        hg[t, s2] = hg[t, s2] * b
                return c2
            lax.fori_loop(0, T, edge_one, 0, unroll=2)

        def round_body(j, carry):
            row0 = sid * sub_rows + j * idx_rows
            pltpu.sync_copy(src_hbm.at[pl.ds(row0, idx_rows)], src_v)
            pltpu.sync_copy(dst_hbm.at[pl.ds(row0, idx_rows)], dst_v)
            for jj in range(idx_rows):
                sl = pl.ds(jj * 128, 128)
                pltpu.async_copy(aa1_hbm.at[src_v.at[jj]], g1.at[sl], sem).wait()
                pltpu.async_copy(aa2_hbm.at[dst_v.at[jj]], g2.at[sl], sem).wait()

            @pl.when(cid == 0)
            def _():
                for jj in range(idx_rows):
                    sl = pl.ds(jj * 128, 128)
                    pltpu.async_copy(h0_hbm.at[src_v.at[jj]], hg.at[sl],
                                     sem).wait()
                scale_loop(0)

            @pl.when(cid == 1)
            def _():
                for jj in range(idx_rows):
                    sl = pl.ds(jj * 128, 128)
                    pltpu.async_copy(h1_hbm.at[src_v.at[jj]], hg.at[sl],
                                     sem).wait()
                scale_loop(2)

            for jj in range(idx_rows):
                sl = pl.ds(jj * 128, 128)
                pltpu.sync_copy(hg.at[sl], num_sp.at[dst_v.at[jj]], add=True)
                pltpu.sync_copy(wv.at[sl], den_sp.at[dst_v.at[jj]], add=True)
            return carry

        lax.fori_loop(0, rounds, round_body, 0)
        plsc.subcore_barrier()

        rsl = pl.ds(r0, ROWS_PER_TILE)

        @pl.when(cid == 0)
        def _():
            pltpu.sync_copy(num_sp.at[rsl], num0_hbm.at[rsl])
            pltpu.sync_copy(den_sp.at[rsl], den0_hbm.at[rsl])

        @pl.when(cid == 1)
        def _():
            pltpu.sync_copy(num_sp.at[rsl], num1_hbm.at[rsl])
            pltpu.sync_copy(den_sp.at[rsl], den1_hbm.at[rsl])

    return edge_kernel



def _fin_body(n0_ref, n1_ref, d_ref, s_ref, b_ref, o_ref):
    den = jnp.dot(d_ref[...], s_ref[...], preferred_element_type=jnp.float32)
    num = jnp.concatenate([n0_ref[...], n1_ref[...]], axis=1)
    o_ref[...] = jnp.maximum(num / (den + 1e-16) + b_ref[...], 0.0)


def _fin(n0, n1, d, S, bias2d):
    bn = 1024
    return pl.pallas_call(
        _fin_body,
        grid=(NP // bn,),
        in_specs=[
            pl.BlockSpec((bn, HH), lambda i: (i, 0)),
            pl.BlockSpec((bn, HH), lambda i: (i, 0)),
            pl.BlockSpec((bn, AW), lambda i: (i, 0)),
            pl.BlockSpec((AW, HC), lambda i: (0, 0)),
            pl.BlockSpec((1, HC), lambda i: (0, 0)),
        ],
        out_specs=pl.BlockSpec((bn, HC), lambda i: (i, 0)),
        out_shape=jax.ShapeDtypeStruct((NP, HC), jnp.float32),
    )(n0, n1, d, S, bias2d)



def kernel(x, edge_index, batch, W, att_src, att_dst, bias):
    del batch
    E = edge_index.shape[1]
    src = edge_index[0].astype(jnp.int32)
    dst = edge_index[1].astype(jnp.int32)
    loop = jnp.arange(N, dtype=jnp.int32)
    n_edges = E + N
    rounds = -(-n_edges // (NTILES * T))
    EP = NTILES * rounds * T
    fill = jnp.full((EP - n_edges,), N, jnp.int32)
    srcp = jnp.concatenate([src, loop, fill]).reshape(EP // 128, 128)
    dstp = jnp.concatenate([dst, loop, fill]).reshape(EP // 128, 128)

    xp = jnp.pad(x, ((0, NP - N), (0, 0)))
    af_s = att_src.reshape(H, C).astype(jnp.float32)
    af_d = att_dst.reshape(H, C).astype(jnp.float32)
    eye = jnp.eye(H, dtype=jnp.float32)
    blk = lambda a: (eye[:, None, :] * a[:, :, None]).reshape(HC, H)
    zpad = jnp.zeros((HC, AW - 2 * H), jnp.float32)
    A1 = jnp.concatenate([blk(af_s), blk(af_d), zpad], axis=1)
    A2 = jnp.concatenate([blk(af_d), blk(af_s), zpad], axis=1)

    h0, h1, aa1, aa2 = _prep(xp, W.astype(jnp.float32), A1, A2)

    znum = jnp.zeros((NP, HH), jnp.float32)
    zden = jnp.zeros((NP, AW), jnp.float32)
    num0, num1, den0, den1 = _make_edge_kernel(rounds)(
        h0, h1, aa1, aa2, srcp, dstp, znum, zden)
    del den1

    S = jnp.concatenate(
        [jnp.kron(jnp.eye(H, dtype=jnp.float32), jnp.ones((1, C), jnp.float32)),
         jnp.zeros((AW - H, HC), jnp.float32)], axis=0)
    out = _fin(num0, num1, den0, S,
               bias.astype(jnp.float32).reshape(1, HC))
    return out[:N]

# --- scband reference (transcript-rebuilt; emitter-appended) ---
"""Pipeline reference for scband-gatlayer-55113020342351 (READ-ONLY COPY).

The authoritative reference and input builder live on the scoring server;
editing this copy changes nothing except your own understanding.
"""

import jax, jax.numpy as jnp
import numpy as np

N = 10000
E = 320000
IN = 128
H = 4
C = 32


def setup_inputs(seed: int = 0) -> dict:
    key = jax.random.key(seed)
    k1, k2, k3, k4, k5, k6 = jax.random.split(key, 6)
    x = jax.random.normal(k1, (N, IN), dtype=jnp.float32)
    edge_index = jax.random.randint(k2, (2, E), 0, N, dtype=jnp.int64)
    batch = jnp.sort(jax.random.randint(k3, (N,), 0, 16, dtype=jnp.int64))
    W = jax.random.normal(k4, (IN, H * C), dtype=jnp.float32) * 0.1
    att_src = jax.random.normal(k5, (1, H, C), dtype=jnp.float32) * 0.1
    att_dst = jax.random.normal(k6, (1, H, C), dtype=jnp.float32) * 0.1
    bias = jnp.zeros((H * C,), dtype=jnp.float32)
    return {"x": x, "edge_index": edge_index, "batch": batch, "W": W,
            "att_src": att_src, "att_dst": att_dst, "bias": bias}


def reference(x, edge_index, batch, W, att_src, att_dst, bias):
    n = x.shape[0]
    # GATConv adds self-loops by default
    loop = jnp.arange(n, dtype=edge_index.dtype)
    ei = jnp.concatenate([edge_index, jnp.stack([loop, loop])], axis=1)
    src, dst = ei[0], ei[1]
    h = (x @ W).reshape(n, H, C)
    a_src = (h * att_src).sum(axis=-1)  # [n, H]
    a_dst = (h * att_dst).sum(axis=-1)  # [n, H]
    alpha = a_src[src] + a_dst[dst]     # [E', H]
    alpha = jax.nn.leaky_relu(alpha, negative_slope=0.2)
    amax = jax.ops.segment_max(alpha, dst, num_segments=n)
    amax = jnp.where(jnp.isfinite(amax), amax, 0.0)
    ex = jnp.exp(alpha - amax[dst])
    denom = jax.ops.segment_sum(ex, dst, num_segments=n)
    att = ex / (denom[dst] + 1e-16)     # edge softmax over incoming edges (dropout disabled: eval)
    msg = h[src] * att[:, :, None]      # [E', H, C]
    out = jax.ops.segment_sum(msg, dst, num_segments=n)
    out = out.reshape(n, H * C) + bias  # concat=True
    return jax.nn.relu(out)

if __name__ == "__main__":
    import jax
    _d = setup_inputs()
    print(jax.jit(kernel)(*tuple(_d.values())))

</pallas_src>

<mosaic_0001>
#map = affine_map<(d0, d1) -> (0, 0)>
module attributes {stable_mosaic.version = 14 : i64} {
  func.func @edge_kernel(%arg0: i32, %arg1: i32, %arg2: memref<10240x64xf32, #tpu.memory_space<hbm>>, %arg3: memref<10240x64xf32, #tpu.memory_space<hbm>>, %arg4: memref<10240x16xf32, #tpu.memory_space<hbm>>, %arg5: memref<10240x16xf32, #tpu.memory_space<hbm>>, %arg6: memref<2624x128xi32, #tpu.memory_space<hbm>>, %arg7: memref<2624x128xi32, #tpu.memory_space<hbm>>, %arg8: memref<10240x64xf32, #tpu.memory_space<hbm>>, %arg9: memref<10240x16xf32, #tpu.memory_space<hbm>>, %arg10: memref<10240x64xf32, #tpu.memory_space<hbm>>, %arg11: memref<10240x64xf32, #tpu.memory_space<hbm>>, %arg12: memref<10240x16xf32, #tpu.memory_space<hbm>>, %arg13: memref<10240x16xf32, #tpu.memory_space<hbm>>, %arg14: memref<4x128xi32, #tpu.memory_space<vmem>>, %arg15: memref<4x128xi32, #tpu.memory_space<vmem>>, %arg16: memref<512x16xf32, #tpu.memory_space<vmem>>, %arg17: memref<512x16xf32, #tpu.memory_space<vmem>>, %arg18: memref<512x16xf32, #tpu.memory_space<vmem>>, %arg19: memref<512x64xf32, #tpu.memory_space<vmem>>, %arg20: memref<!tpu.dma_semaphore, #tpu.memory_space<semaphore_mem>>, %arg21: memref<10240x64xf32, #tpu.memory_space<vmem_shared>>, %arg22: memref<10240x16xf32, #tpu.memory_space<vmem_shared>>) attributes {dimension_semantics = [#tpu.dimension_semantics<core_parallel>, #tpu.dimension_semantics<subcore_parallel>], iteration_bounds = array<i64: 2, 16>, scalar_prefetch = 0 : i64, scratch_operands = 9 : i64, tpu.core_type = #tpu.core_type<sc_vector_subcore>, window_params = [{transform_indices = #map}, {transform_indices = #map}, {transform_indices = #map}, {transform_indices = #map}, {transform_indices = #map}, {transform_indices = #map}, {transform_indices = #map}, {transform_indices = #map}, {transform_indices = #map}, {transform_indices = #map}, {transform_indices = #map}, {transform_indices = #map}]} {
    %mul3A = arith.constant 640 : i32
    %mul3A_0 = arith.muli %arg1, %mul3A : i32
    "tpu.region"() ({
      %run_scoped3A = tpu.sem_alloc : memref<!tpu.dma_semaphore, #tpu.memory_space<semaphore_mem>>
      %dma_start3A = arith.constant 0 : i32
      %dma_start3A_14 = tpu.memref_slice %arg21[%mul3A_0, %dma_start3A] : memref<10240x64xf32, #tpu.memory_space<vmem_shared>> -> memref<640x64xf32, #tpu.memory_space<vmem_shared>>
      %dma_start3A_15 = arith.constant 0 : i32
      %dma_start3A_16 = tpu.memref_slice %arg8[%mul3A_0, %dma_start3A_15] : memref<10240x64xf32, #tpu.memory_space<hbm>> -> memref<640x64xf32, #tpu.memory_space<hbm>>
      tpu.enqueue_dma source(%dma_start3A_16 : memref<640x64xf32, #tpu.memory_space<hbm>>) target(%dma_start3A_14 : memref<640x64xf32, #tpu.memory_space<vmem_shared>>) target_semaphore(%run_scoped3A : memref<!tpu.dma_semaphore, #tpu.memory_space<semaphore_mem>>)
      %dma_wait3A = arith.constant 0 : i32
      %dma_wait3A_17 = tpu.memref_slice %arg21[%mul3A_0, %dma_wait3A] : memref<10240x64xf32, #tpu.memory_space<vmem_shared>> -> memref<640x64xf32, #tpu.memory_space<vmem_shared>>
      %dma_wait3A_18 = arith.constant 0 : i32
      %dma_wait3A_19 = tpu.memref_slice %arg8[%mul3A_0, %dma_wait3A_18] : memref<10240x64xf32, #tpu.memory_space<hbm>> -> memref<640x64xf32, #tpu.memory_space<hbm>>
      tpu.wait_dma2 semaphore(%run_scoped3A : memref<!tpu.dma_semaphore, #tpu.memory_space<semaphore_mem>>) src(%dma_wait3A_19 : memref<640x64xf32, #tpu.memory_space<hbm>>) dst(%dma_wait3A_17 : memref<640x64xf32, #tpu.memory_space<vmem_shared>>)
      tpu.yield
    }) : () -> ()
    "tpu.region"() ({
      %run_scoped3A = tpu.sem_alloc : memref<!tpu.dma_semaphore, #tpu.memory_space<semaphore_mem>>
      %dma_start3A = arith.constant 0 : i32
      %dma_start3A_14 = tpu.memref_slice %arg22[%mul3A_0, %dma_start3A] : memref<10240x16xf32, #tpu.memory_space<vmem_shared>> -> memref<640x16xf32, #tpu.memory_space<vmem_shared>>
      %dma_start3A_15 = arith.constant 0 : i32
      %dma_start3A_16 = tpu.memref_slice %arg9[%mul3A_0, %dma_start3A_15] : memref<10240x16xf32, #tpu.memory_space<hbm>> -> memref<640x16xf32, #tpu.memory_space<hbm>>
      tpu.enqueue_dma source(%dma_start3A_16 : memref<640x16xf32, #tpu.memory_space<hbm>>) target(%dma_start3A_14 : memref<640x16xf32, #tpu.memory_space<vmem_shared>>) target_semaphore(%run_scoped3A : memref<!tpu.dma_semaphore, #tpu.memory_space<semaphore_mem>>)
      %dma_wait3A = arith.constant 0 : i32
      %dma_wait3A_17 = tpu.memref_slice %arg22[%mul3A_0, %dma_wait3A] : memref<10240x16xf32, #tpu.memory_space<vmem_shared>> -> memref<640x16xf32, #tpu.memory_space<vmem_shared>>
      %dma_wait3A_18 = arith.constant 0 : i32
      %dma_wait3A_19 = tpu.memref_slice %arg9[%mul3A_0, %dma_wait3A_18] : memref<10240x16xf32, #tpu.memory_space<hbm>> -> memref<640x16xf32, #tpu.memory_space<hbm>>
      tpu.wait_dma2 semaphore(%run_scoped3A : memref<!tpu.dma_semaphore, #tpu.memory_space<semaphore_mem>>) src(%dma_wait3A_19 : memref<640x16xf32, #tpu.memory_space<hbm>>) dst(%dma_wait3A_17 : memref<640x16xf32, #tpu.memory_space<vmem_shared>>)
      tpu.yield
    }) : () -> ()
    %barrier3A = arith.constant 0 : index
    tpu.barrier barrier_id(%barrier3A)
    %scan3A = arith.constant 0 : i32
    %scan3A_1 = arith.constant 0 : i32
    %scan3A_2 = arith.constant 41 : i32
    %scan3A_3 = arith.addi %scan3A_1, %scan3A_2 : i32
    %scan3A_4 = arith.constant 1 : i32
    scf.for %scan3A_14 = %scan3A_1 to %scan3A_3 step %scan3A_4  : i32 {
      %mul3A_15 = arith.constant 164 : i32
      %mul3A_16 = arith.muli %arg1, %mul3A_15 : i32
      %mul3A_17 = arith.constant 4 : i32
      %mul3A_18 = arith.muli %scan3A_14, %mul3A_17 : i32
      %add3A = arith.addi %mul3A_16, %mul3A_18 : i32
      "tpu.region"() ({
        %run_scoped3A_194 = tpu.sem_alloc : memref<!tpu.dma_semaphore, #tpu.memory_space<semaphore_mem>>
        %dma_start3A_195 = arith.constant 0 : i32
        %dma_start3A_196 = tpu.memref_slice %arg6[%add3A, %dma_start3A_195] : memref<2624x128xi32, #tpu.memory_space<hbm>> -> memref<4x128xi32, #tpu.memory_space<hbm>>
        %dma_start3A_197 = arith.constant 0 : i32
        %dma_start3A_198 = tpu.memref_slice %arg6[%add3A, %dma_start3A_197] : memref<2624x128xi32, #tpu.memory_space<hbm>> -> memref<4x128xi32, #tpu.memory_space<hbm>>
        tpu.enqueue_dma source(%dma_start3A_198 : memref<4x128xi32, #tpu.memory_space<hbm>>) target(%arg14 : memref<4x128xi32, #tpu.memory_space<vmem>>) target_semaphore(%run_scoped3A_194 : memref<!tpu.dma_semaphore, #tpu.memory_space<semaphore_mem>>)
        %dma_wait3A_199 = arith.constant 0 : i32
        %dma_wait3A_200 = tpu.memref_slice %arg6[%add3A, %dma_wait3A_199] : memref<2624x128xi32, #tpu.memory_space<hbm>> -> memref<4x128xi32, #tpu.memory_space<hbm>>
        %dma_wait3A_201 = arith.constant 0 : i32
        %dma_wait3A_202 = tpu.memref_slice %arg6[%add3A, %dma_wait3A_201] : memref<2624x128xi32, #tpu.memory_space<hbm>> -> memref<4x128xi32, #tpu.memory_space<hbm>>
        tpu.wait_dma2 semaphore(%run_scoped3A_194 : memref<!tpu.dma_semaphore, #tpu.memory_space<semaphore_mem>>) src(%dma_wait3A_202 : memref<4x128xi32, #tpu.memory_space<hbm>>) dst(%arg14 : memref<4x128xi32, #tpu.memory_space<vmem>>)
        tpu.yield
      }) : () -> ()
      "tpu.region"() ({
        %run_scoped3A_194 = tpu.sem_alloc : memref<!tpu.dma_semaphore, #tpu.memory_space<semaphore_mem>>
        %dma_start3A_195 = arith.constant 0 : i32
        %dma_start3A_196 = tpu.memref_slice %arg7[%add3A, %dma_start3A_195] : memref<2624x128xi32, #tpu.memory_space<hbm>> -> memref<4x128xi32, #tpu.memory_space<hbm>>
        %dma_start3A_197 = arith.constant 0 : i32
        %dma_start3A_198 = tpu.memref_slice %arg7[%add3A, %dma_start3A_197] : memref<2624x128xi32, #tpu.memory_space<hbm>> -> memref<4x128xi32, #tpu.memory_space<hbm>>
        tpu.enqueue_dma source(%dma_start3A_198 : memref<4x128xi32, #tpu.memory_space<hbm>>) target(%arg15 : memref<4x128xi32, #tpu.memory_space<vmem>>) target_semaphore(%run_scoped3A_194 : memref<!tpu.dma_semaphore, #tpu.memory_space<semaphore_mem>>)
        %dma_wait3A_199 = arith.constant 0 : i32
        %dma_wait3A_200 = tpu.memref_slice %arg7[%add3A, %dma_wait3A_199] : memref<2624x128xi32, #tpu.memory_space<hbm>> -> memref<4x128xi32, #tpu.memory_space<hbm>>
        %dma_wait3A_201 = arith.constant 0 : i32
        %dma_wait3A_202 = tpu.memref_slice %arg7[%add3A, %dma_wait3A_201] : memref<2624x128xi32, #tpu.memory_space<hbm>> -> memref<4x128xi32, #tpu.memory_space<hbm>>
        tpu.wait_dma2 semaphore(%run_scoped3A_194 : memref<!tpu.dma_semaphore, #tpu.memory_space<semaphore_mem>>) src(%dma_wait3A_202 : memref<4x128xi32, #tpu.memory_space<hbm>>) dst(%arg15 : memref<4x128xi32, #tpu.memory_space<vmem>>)
        tpu.yield
      }) : () -> ()
      %dma_start3A = arith.constant 0 : i32
      %dma_start3A_19 = arith.constant 0 : i32
      %dma_start3A_20 = arith.constant 0 : i32
      %dma_start3A_21 = tpu.memref_slice %arg16[%dma_start3A_19, %dma_start3A_20] : memref<512x16xf32, #tpu.memory_space<vmem>> -> memref<128x16xf32, #tpu.memory_space<vmem>>
      %dma_start3A_22 = arith.constant 0 : i32
      %dma_start3A_23 = tpu.memref_slice %arg14[%dma_start3A, %dma_start3A_22] : memref<4x128xi32, #tpu.memory_space<vmem>> -> memref<1x128xi32, #tpu.memory_space<vmem>>
      %dma_start3A_24 = tpu.memref_squeeze %dma_start3A_23 : memref<1x128xi32, #tpu.memory_space<vmem>> -> memref<128xi32, #tpu.memory_space<vmem>>
      %dma_start3A_25 = arith.constant 0 : i32
      %dma_start3A_26 = arith.constant 0 : i32
      %dma_start3A_27 = tpu.memref_slice %arg4[%dma_start3A_25, %dma_start3A_26] : memref<10240x16xf32, #tpu.memory_space<hbm>> -> memref<10240x16xf32, #tpu.memory_space<hbm>>
      tpu.enqueue_indirect_dma source(%dma_start3A_27 : memref<10240x16xf32, #tpu.memory_space<hbm>>) target(%dma_start3A_21 : memref<128x16xf32, #tpu.memory_space<vmem>>) offsets(%dma_start3A_24 : memref<128xi32, #tpu.memory_space<vmem>>) semaphore(%arg20 : memref<!tpu.dma_semaphore, #tpu.memory_space<semaphore_mem>>)
      %dma_wait3A = arith.constant 0 : i32
      %dma_wait3A_28 = arith.constant 0 : i32
      %dma_wait3A_29 = arith.constant 0 : i32
      %dma_wait3A_30 = tpu.memref_slice %arg16[%dma_wait3A_28, %dma_wait3A_29] : memref<512x16xf32, #tpu.memory_space<vmem>> -> memref<128x16xf32, #tpu.memory_space<vmem>>
      %dma_wait3A_31 = arith.constant 0 : i32
      %dma_wait3A_32 = tpu.memref_slice %arg14[%dma_wait3A, %dma_wait3A_31] : memref<4x128xi32, #tpu.memory_space<vmem>> -> memref<1x128xi32, #tpu.memory_space<vmem>>
      %dma_wait3A_33 = tpu.memref_squeeze %dma_wait3A_32 : memref<1x128xi32, #tpu.memory_space<vmem>> -> memref<128xi32, #tpu.memory_space<vmem>>
      %dma_wait3A_34 = arith.constant 0 : i32
      %dma_wait3A_35 = arith.constant 0 : i32
      %dma_wait3A_36 = tpu.memref_slice %arg4[%dma_wait3A_34, %dma_wait3A_35] : memref<10240x16xf32, #tpu.memory_space<hbm>> -> memref<10240x16xf32, #tpu.memory_space<hbm>>
      tpu.wait_indirect_dma semaphore(%arg20 : memref<!tpu.dma_semaphore, #tpu.memory_space<semaphore_mem>>) src(%dma_wait3A_36 : memref<10240x16xf32, #tpu.memory_space<hbm>>) dst(%dma_wait3A_30 : memref<128x16xf32, #tpu.memory_space<vmem>>)
      %dma_start3A_37 = arith.constant 0 : i32
      %dma_start3A_38 = arith.constant 0 : i32
      %dma_start3A_39 = arith.constant 0 : i32
      %dma_start3A_40 = tpu.memref_slice %arg17[%dma_start3A_38, %dma_start3A_39] : memref<512x16xf32, #tpu.memory_space<vmem>> -> memref<128x16xf32, #tpu.memory_space<vmem>>
      %dma_start3A_41 = arith.constant 0 : i32
      %dma_start3A_42 = tpu.memref_slice %arg15[%dma_start3A_37, %dma_start3A_41] : memref<4x128xi32, #tpu.memory_space<vmem>> -> memref<1x128xi32, #tpu.memory_space<vmem>>
      %dma_start3A_43 = tpu.memref_squeeze %dma_start3A_42 : memref<1x128xi32, #tpu.memory_space<vmem>> -> memref<128xi32, #tpu.memory_space<vmem>>
      %dma_start3A_44 = arith.constant 0 : i32
      %dma_start3A_45 = arith.constant 0 : i32
      %dma_start3A_46 = tpu.memref_slice %arg5[%dma_start3A_44, %dma_start3A_45] : memref<10240x16xf32, #tpu.memory_space<hbm>> -> memref<10240x16xf32, #tpu.memory_space<hbm>>
      tpu.enqueue_indirect_dma source(%dma_start3A_46 : memref<10240x16xf32, #tpu.memory_space<hbm>>) target(%dma_start3A_40 : memref<128x16xf32, #tpu.memory_space<vmem>>) offsets(%dma_start3A_43 : memref<128xi32, #tpu.memory_space<vmem>>) semaphore(%arg20 : memref<!tpu.dma_semaphore, #tpu.memory_space<semaphore_mem>>)
      %dma_wait3A_47 = arith.constant 0 : i32
      %dma_wait3A_48 = arith.constant 0 : i32
      %dma_wait3A_49 = arith.constant 0 : i32
      %dma_wait3A_50 = tpu.memref_slice %arg17[%dma_wait3A_48, %dma_wait3A_49] : memref<512x16xf32, #tpu.memory_space<vmem>> -> memref<128x16xf32, #tpu.memory_space<vmem>>
      %dma_wait3A_51 = arith.constant 0 : i32
      %dma_wait3A_52 = tpu.memref_slice %arg15[%dma_wait3A_47, %dma_wait3A_51] : memref<4x128xi32, #tpu.memory_space<vmem>> -> memref<1x128xi32, #tpu.memory_space<vmem>>
      %dma_wait3A_53 = tpu.memref_squeeze %dma_wait3A_52 : memref<1x128xi32, #tpu.memory_space<vmem>> -> memref<128xi32, #tpu.memory_space<vmem>>
      %dma_wait3A_54 = arith.constant 0 : i32
      %dma_wait3A_55 = arith.constant 0 : i32
      %dma_wait3A_56 = tpu.memref_slice %arg5[%dma_wait3A_54, %dma_wait3A_55] : memref<10240x16xf32, #tpu.memory_space<hbm>> -> memref<10240x16xf32, #tpu.memory_space<hbm>>
      tpu.wait_indirect_dma semaphore(%arg20 : memref<!tpu.dma_semaphore, #tpu.memory_space<semaphore_mem>>) src(%dma_wait3A_56 : memref<10240x16xf32, #tpu.memory_space<hbm>>) dst(%dma_wait3A_50 : memref<128x16xf32, #tpu.memory_space<vmem>>)
      %dma_start3A_57 = arith.constant 1 : i32
      %dma_start3A_58 = arith.constant 128 : i32
      %dma_start3A_59 = arith.constant 0 : i32
      %dma_start3A_60 = tpu.memref_slice %arg16[%dma_start3A_58, %dma_start3A_59] : memref<512x16xf32, #tpu.memory_space<vmem>> -> memref<128x16xf32, #tpu.memory_space<vmem>>
      %dma_start3A_61 = arith.constant 0 : i32
      %dma_start3A_62 = tpu.memref_slice %arg14[%dma_start3A_57, %dma_start3A_61] : memref<4x128xi32, #tpu.memory_space<vmem>> -> memref<1x128xi32, #tpu.memory_space<vmem>>
      %dma_start3A_63 = tpu.memref_squeeze %dma_start3A_62 : memref<1x128xi32, #tpu.memory_space<vmem>> -> memref<128xi32, #tpu.memory_space<vmem>>
      %dma_start3A_64 = arith.constant 0 : i32
      %dma_start3A_65 = arith.constant 0 : i32
      %dma_start3A_66 = tpu.memref_slice %arg4[%dma_start3A_64, %dma_start3A_65] : memref<10240x16xf32, #tpu.memory_space<hbm>> -> memref<10240x16xf32, #tpu.memory_space<hbm>>
      tpu.enqueue_indirect_dma source(%dma_start3A_66 : memref<10240x16xf32, #tpu.memory_space<hbm>>) target(%dma_start3A_60 : memref<128x16xf32, #tpu.memory_space<vmem>>) offsets(%dma_start3A_63 : memref<128xi32, #tpu.memory_space<vmem>>) semaphore(%arg20 : memref<!tpu.dma_semaphore, #tpu.memory_space<semaphore_mem>>)
      %dma_wait3A_67 = arith.constant 1 : i32
      %dma_wait3A_68 = arith.constant 128 : i32
      %dma_wait3A_69 = arith.constant 0 : i32
      %dma_wait3A_70 = tpu.memref_slice %arg16[%dma_wait3A_68, %dma_wait3A_69] : memref<512x16xf32, #tpu.memory_space<vmem>> -> memref<128x16xf32, #tpu.memory_space<vmem>>
      %dma_wait3A_71 = arith.constant 0 : i32
      %dma_wait3A_72 = tpu.memref_slice %arg14[%dma_wait3A_67, %dma_wait3A_71] : memref<4x128xi32, #tpu.memory_space<vmem>> -> memref<1x128xi32, #tpu.memory_space<vmem>>
      %dma_wait3A_73 = tpu.memref_squeeze %dma_wait3A_72 : memref<1x128xi32, #tpu.memory_space<vmem>> -> memref<128xi32, #tpu.memory_space<vmem>>
      %dma_wait3A_74 = arith.constant 0 : i32
      %dma_wait3A_75 = arith.constant 0 : i32
      %dma_wait3A_76 = tpu.memref_slice %arg4[%dma_wait3A_74, %dma_wait3A_75] : memref<10240x16xf32, #tpu.memory_space<hbm>> -> memref<10240x16xf32, #tpu.memory_space<hbm>>
      tpu.wait_indirect_dma semaphore(%arg20 : memref<!tpu.dma_semaphore, #tpu.memory_space<semaphore_mem>>) src(%dma_wait3A_76 : memref<10240x16xf32, #tpu.memory_space<hbm>>) dst(%dma_wait3A_70 : memref<128x16xf32, #tpu.memory_space<vmem>>)
      %dma_start3A_77 = arith.constant 1 : i32
      %dma_start3A_78 = arith.constant 128 : i32
      %dma_start3A_79 = arith.constant 0 : i32
      %dma_start3A_80 = tpu.memref_slice %arg17[%dma_start3A_78, %dma_start3A_79] : memref<512x16xf32, #tpu.memory_space<vmem>> -> memref<128x16xf32, #tpu.memory_space<vmem>>
      %dma_start3A_81 = arith.constant 0 : i32
      %dma_start3A_82 = tpu.memref_slice %arg15[%dma_start3A_77, %dma_start3A_81] : memref<4x128xi32, #tpu.memory_space<vmem>> -> memref<1x128xi32, #tpu.memory_space<vmem>>
      %dma_start3A_83 = tpu.memref_squeeze %dma_start3A_82 : memref<1x128xi32, #tpu.memory_space<vmem>> -> memref<128xi32, #tpu.memory_space<vmem>>
      %dma_start3A_84 = arith.constant 0 : i32
      %dma_start3A_85 = arith.constant 0 : i32
      %dma_start3A_86 = tpu.memref_slice %arg5[%dma_start3A_84, %dma_start3A_85] : memref<10240x16xf32, #tpu.memory_space<hbm>> -> memref<10240x16xf32, #tpu.memory_space<hbm>>
      tpu.enqueue_indirect_dma source(%dma_start3A_86 : memref<10240x16xf32, #tpu.memory_space<hbm>>) target(%dma_start3A_80 : memref<128x16xf32, #tpu.memory_space<vmem>>) offsets(%dma_start3A_83 : memref<128xi32, #tpu.memory_space<vmem>>) semaphore(%arg20 : memref<!tpu.dma_semaphore, #tpu.memory_space<semaphore_mem>>)
      %dma_wait3A_87 = arith.constant 1 : i32
      %dma_wait3A_88 = arith.constant 128 : i32
      %dma_wait3A_89 = arith.constant 0 : i32
      %dma_wait3A_90 = tpu.memref_slice %arg17[%dma_wait3A_88, %dma_wait3A_89] : memref<512x16xf32, #tpu.memory_space<vmem>> -> memref<128x16xf32, #tpu.memory_space<vmem>>
      %dma_wait3A_91 = arith.constant 0 : i32
      %dma_wait3A_92 = tpu.memref_slice %arg15[%dma_wait3A_87, %dma_wait3A_91] : memref<4x128xi32, #tpu.memory_space<vmem>> -> memref<1x128xi32, #tpu.memory_space<vmem>>
      %dma_wait3A_93 = tpu.memref_squeeze %dma_wait3A_92 : memref<1x128xi32, #tpu.memory_space<vmem>> -> memref<128xi32, #tpu.memory_space<vmem>>
      %dma_wait3A_94 = arith.constant 0 : i32
      %dma_wait3A_95 = arith.constant 0 : i32
      %dma_wait3A_96 = tpu.memref_slice %arg5[%dma_wait3A_94, %dma_wait3A_95] : memref<10240x16xf32, #tpu.memory_space<hbm>> -> memref<10240x16xf32, #tpu.memory_space<hbm>>
      tpu.wait_indirect_dma semaphore(%arg20 : memref<!tpu.dma_semaphore, #tpu.memory_space<semaphore_mem>>) src(%dma_wait3A_96 : memref<10240x16xf32, #tpu.memory_space<hbm>>) dst(%dma_wait3A_90 : memref<128x16xf32, #tpu.memory_space<vmem>>)
      %dma_start3A_97 = arith.constant 2 : i32
      %dma_start3A_98 = arith.constant 256 : i32
      %dma_start3A_99 = arith.constant 0 : i32
      %dma_start3A_100 = tpu.memref_slice %arg16[%dma_start3A_98, %dma_start3A_99] : memref<512x16xf32, #tpu.memory_space<vmem>> -> memref<128x16xf32, #tpu.memory_space<vmem>>
      %dma_start3A_101 = arith.constant 0 : i32
      %dma_start3A_102 = tpu.memref_slice %arg14[%dma_start3A_97, %dma_start3A_101] : memref<4x128xi32, #tpu.memory_space<vmem>> -> memref<1x128xi32, #tpu.memory_space<vmem>>
      %dma_start3A_103 = tpu.memref_squeeze %dma_start3A_102 : memref<1x128xi32, #tpu.memory_space<vmem>> -> memref<128xi32, #tpu.memory_space<vmem>>
      %dma_start3A_104 = arith.constant 0 : i32
      %dma_start3A_105 = arith.constant 0 : i32
      %dma_start3A_106 = tpu.memref_slice %arg4[%dma_start3A_104, %dma_start3A_105] : memref<10240x16xf32, #tpu.memory_space<hbm>> -> memref<10240x16xf32, #tpu.memory_space<hbm>>
      tpu.enqueue_indirect_dma source(%dma_start3A_106 : memref<10240x16xf32, #tpu.memory_space<hbm>>) target(%dma_start3A_100 : memref<128x16xf32, #tpu.memory_space<vmem>>) offsets(%dma_start3A_103 : memref<128xi32, #tpu.memory_space<vmem>>) semaphore(%arg20 : memref<!tpu.dma_semaphore, #tpu.memory_space<semaphore_mem>>)
      %dma_wait3A_107 = arith.constant 2 : i32
      %dma_wait3A_108 = arith.constant 256 : i32
      %dma_wait3A_109 = arith.constant 0 : i32
      %dma_wait3A_110 = tpu.memref_slice %arg16[%dma_wait3A_108, %dma_wait3A_109] : memref<512x16xf32, #tpu.memory_space<vmem>> -> memref<128x16xf32, #tpu.memory_space<vmem>>
      %dma_wait3A_111 = arith.constant 0 : i32
      %dma_wait3A_112 = tpu.memref_slice %arg14[%dma_wait3A_107, %dma_wait3A_111] : memref<4x128xi32, #tpu.memory_space<vmem>> -> memref<1x128xi32, #tpu.memory_space<vmem>>
      %dma_wait3A_113 = tpu.memref_squeeze %dma_wait3A_112 : memref<1x128xi32, #tpu.memory_space<vmem>> -> memref<128xi32, #tpu.memory_space<vmem>>
      %dma_wait3A_114 = arith.constant 0 : i32
      %dma_wait3A_115 = arith.constant 0 : i32
      %dma_wait3A_116 = tpu.memref_slice %arg4[%dma_wait3A_114, %dma_wait3A_115] : memref<10240x16xf32, #tpu.memory_space<hbm>> -> memref<10240x16xf32, #tpu.memory_space<hbm>>
      tpu.wait_indirect_dma semaphore(%arg20 : memref<!tpu.dma_semaphore, #tpu.memory_space<semaphore_mem>>) src(%dma_wait3A_116 : memref<10240x16xf32, #tpu.memory_space<hbm>>) dst(%dma_wait3A_110 : memref<128x16xf32, #tpu.memory_space<vmem>>)
      %dma_start3A_117 = arith.constant 2 : i32
      %dma_start3A_118 = arith.constant 256 : i32
      %dma_start3A_119 = arith.constant 0 : i32
      %dma_start3A_120 = tpu.memref_slice %arg17[%dma_start3A_118, %dma_start3A_119] : memref<512x16xf32, #tpu.memory_space<vmem>> -> memref<128x16xf32, #tpu.memory_space<vmem>>
      %dma_start3A_121 = arith.constant 0 : i32
      %dma_start3A_122 = tpu.memref_slice %arg15[%dma_start3A_117, %dma_start3A_121] : memref<4x128xi32, #tpu.memory_space<vmem>> -> memref<1x128xi32, #tpu.memory_space<vmem>>
      %dma_start3A_123 = tpu.memref_squeeze %dma_start3A_122 : memref<1x128xi32, #tpu.memory_space<vmem>> -> memref<128xi32, #tpu.memory_space<vmem>>
      %dma_start3A_124 = arith.constant 0 : i32
      %dma_start3A_125 = arith.constant 0 : i32
      %dma_start3A_126 = tpu.memref_slice %arg5[%dma_start3A_124, %dma_start3A_125] : memref<10240x16xf32, #tpu.memory_space<hbm>> -> memref<10240x16xf32, #tpu.memory_space<hbm>>
      tpu.enqueue_indirect_dma source(%dma_start3A_126 : memref<10240x16xf32, #tpu.memory_space<hbm>>) target(%dma_start3A_120 : memref<128x16xf32, #tpu.memory_space<vmem>>) offsets(%dma_start3A_123 : memref<128xi32, #tpu.memory_space<vmem>>) semaphore(%arg20 : memref<!tpu.dma_semaphore, #tpu.memory_space<semaphore_mem>>)
      %dma_wait3A_127 = arith.constant 2 : i32
      %dma_wait3A_128 = arith.constant 256 : i32
      %dma_wait3A_129 = arith.constant 0 : i32
      %dma_wait3A_130 = tpu.memref_slice %arg17[%dma_wait3A_128, %dma_wait3A_129] : memref<512x16xf32, #tpu.memory_space<vmem>> -> memref<128x16xf32, #tpu.memory_space<vmem>>
      %dma_wait3A_131 = arith.constant 0 : i32
      %dma_wait3A_132 = tpu.memref_slice %arg15[%dma_wait3A_127, %dma_wait3A_131] : memref<4x128xi32, #tpu.memory_space<vmem>> -> memref<1x128xi32, #tpu.memory_space<vmem>>
      %dma_wait3A_133 = tpu.memref_squeeze %dma_wait3A_132 : memref<1x128xi32, #tpu.memory_space<vmem>> -> memref<128xi32, #tpu.memory_space<vmem>>
      %dma_wait3A_134 = arith.constant 0 : i32
      %dma_wait3A_135 = arith.constant 0 : i32
      %dma_wait3A_136 = tpu.memref_slice %arg5[%dma_wait3A_134, %dma_wait3A_135] : memref<10240x16xf32, #tpu.memory_space<hbm>> -> memref<10240x16xf32, #tpu.memory_space<hbm>>
      tpu.wait_indirect_dma semaphore(%arg20 : memref<!tpu.dma_semaphore, #tpu.memory_space<semaphore_mem>>) src(%dma_wait3A_136 : memref<10240x16xf32, #tpu.memory_space<hbm>>) dst(%dma_wait3A_130 : memref<128x16xf32, #tpu.memory_space<vmem>>)
      %dma_start3A_137 = arith.constant 3 : i32
      %dma_start3A_138 = arith.constant 384 : i32
      %dma_start3A_139 = arith.constant 0 : i32
      %dma_start3A_140 = tpu.memref_slice %arg16[%dma_start3A_138, %dma_start3A_139] : memref<512x16xf32, #tpu.memory_space<vmem>> -> memref<128x16xf32, #tpu.memory_space<vmem>>
      %dma_start3A_141 = arith.constant 0 : i32
      %dma_start3A_142 = tpu.memref_slice %arg14[%dma_start3A_137, %dma_start3A_141] : memref<4x128xi32, #tpu.memory_space<vmem>> -> memref<1x128xi32, #tpu.memory_space<vmem>>
      %dma_start3A_143 = tpu.memref_squeeze %dma_start3A_142 : memref<1x128xi32, #tpu.memory_space<vmem>> -> memref<128xi32, #tpu.memory_space<vmem>>
      %dma_start3A_144 = arith.constant 0 : i32
      %dma_start3A_145 = arith.constant 0 : i32
      %dma_start3A_146 = tpu.memref_slice %arg4[%dma_start3A_144, %dma_start3A_145] : memref<10240x16xf32, #tpu.memory_space<hbm>> -> memref<10240x16xf32, #tpu.memory_space<hbm>>
      tpu.enqueue_indirect_dma source(%dma_start3A_146 : memref<10240x16xf32, #tpu.memory_space<hbm>>) target(%dma_start3A_140 : memref<128x16xf32, #tpu.memory_space<vmem>>) offsets(%dma_start3A_143 : memref<128xi32, #tpu.memory_space<vmem>>) semaphore(%arg20 : memref<!tpu.dma_semaphore, #tpu.memory_space<semaphore_mem>>)
      %dma_wait3A_147 = arith.constant 3 : i32
      %dma_wait3A_148 = arith.constant 384 : i32
      %dma_wait3A_149 = arith.constant 0 : i32
      %dma_wait3A_150 = tpu.memref_slice %arg16[%dma_wait3A_148, %dma_wait3A_149] : memref<512x16xf32, #tpu.memory_space<vmem>> -> memref<128x16xf32, #tpu.memory_space<vmem>>
      %dma_wait3A_151 = arith.constant 0 : i32
      %dma_wait3A_152 = tpu.memref_slice %arg14[%dma_wait3A_147, %dma_wait3A_151] : memref<4x128xi32, #tpu.memory_space<vmem>> -> memref<1x128xi32, #tpu.memory_space<vmem>>
      %dma_wait3A_153 = tpu.memref_squeeze %dma_wait3A_152 : memref<1x128xi32, #tpu.memory_space<vmem>> -> memref<128xi32, #tpu.memory_space<vmem>>
      %dma_wait3A_154 = arith.constant 0 : i32
      %dma_wait3A_155 = arith.constant 0 : i32
      %dma_wait3A_156 = tpu.memref_slice %arg4[%dma_wait3A_154, %dma_wait3A_155] : memref<10240x16xf32, #tpu.memory_space<hbm>> -> memref<10240x16xf32, #tpu.memory_space<hbm>>
      tpu.wait_indirect_dma semaphore(%arg20 : memref<!tpu.dma_semaphore, #tpu.memory_space<semaphore_mem>>) src(%dma_wait3A_156 : memref<10240x16xf32, #tpu.memory_space<hbm>>) dst(%dma_wait3A_150 : memref<128x16xf32, #tpu.memory_space<vmem>>)
      %dma_start3A_157 = arith.constant 3 : i32
      %dma_start3A_158 = arith.constant 384 : i32
      %dma_start3A_159 = arith.constant 0 : i32
      %dma_start3A_160 = tpu.memref_slice %arg17[%dma_start3A_158, %dma_start3A_159] : memref<512x16xf32, #tpu.memory_space<vmem>> -> memref<128x16xf32, #tpu.memory_space<vmem>>
      %dma_start3A_161 = arith.constant 0 : i32
      %dma_start3A_162 = tpu.memref_slice %arg15[%dma_start3A_157, %dma_start3A_161] : memref<4x128xi32, #tpu.memory_space<vmem>> -> memref<1x128xi32, #tpu.memory_space<vmem>>
      %dma_start3A_163 = tpu.memref_squeeze %dma_start3A_162 : memref<1x128xi32, #tpu.memory_space<vmem>> -> memref<128xi32, #tpu.memory_space<vmem>>
      %dma_start3A_164 = arith.constant 0 : i32
      %dma_start3A_165 = arith.constant 0 : i32
      %dma_start3A_166 = tpu.memref_slice %arg5[%dma_start3A_164, %dma_start3A_165] : memref<10240x16xf32, #tpu.memory_space<hbm>> -> memref<10240x16xf32, #tpu.memory_space<hbm>>
      tpu.enqueue_indirect_dma source(%dma_start3A_166 : memref<10240x16xf32, #tpu.memory_space<hbm>>) target(%dma_start3A_160 : memref<128x16xf32, #tpu.memory_space<vmem>>) offsets(%dma_start3A_163 : memref<128xi32, #tpu.memory_space<vmem>>) semaphore(%arg20 : memref<!tpu.dma_semaphore, #tpu.memory_space<semaphore_mem>>)
      %dma_wait3A_167 = arith.constant 3 : i32
      %dma_wait3A_168 = arith.constant 384 : i32
      %dma_wait3A_169 = arith.constant 0 : i32
      %dma_wait3A_170 = tpu.memref_slice %arg17[%dma_wait3A_168, %dma_wait3A_169] : memref<512x16xf32, #tpu.memory_space<vmem>> -> memref<128x16xf32, #tpu.memory_space<vmem>>
      %dma_wait3A_171 = arith.constant 0 : i32
      %dma_wait3A_172 = tpu.memref_slice %arg15[%dma_wait3A_167, %dma_wait3A_171] : memref<4x128xi32, #tpu.memory_space<vmem>> -> memref<1x128xi32, #tpu.memory_space<vmem>>
      %dma_wait3A_173 = tpu.memref_squeeze %dma_wait3A_172 : memref<1x128xi32, #tpu.memory_space<vmem>> -> memref<128xi32, #tpu.memory_space<vmem>>
      %dma_wait3A_174 = arith.constant 0 : i32
      %dma_wait3A_175 = arith.constant 0 : i32
      %dma_wait3A_176 = tpu.memref_slice %arg5[%dma_wait3A_174, %dma_wait3A_175] : memref<10240x16xf32, #tpu.memory_space<hbm>> -> memref<10240x16xf32, #tpu.memory_space<hbm>>
      tpu.wait_indirect_dma semaphore(%arg20 : memref<!tpu.dma_semaphore, #tpu.memory_space<semaphore_mem>>) src(%dma_wait3A_176 : memref<10240x16xf32, #tpu.memory_space<hbm>>) dst(%dma_wait3A_170 : memref<128x16xf32, #tpu.memory_space<vmem>>)
      %eq3A_177 = arith.constant 0 : i32
      %eq3A_178 = arith.cmpi eq, %arg0, %eq3A_177 : i32
      %convert_element_type3A_179 = arith.extui %eq3A_178 : i1 to i32
      %cond3A_180 = arith.constant 0 : i32
      %cond3A_181 = arith.cmpi ne, %convert_element_type3A_179, %cond3A_180 : i32
      scf.if %cond3A_181 {
        %dma_start3A_194 = arith.constant 0 : i32
        %dma_start3A_195 = arith.constant 0 : i32
        %dma_start3A_196 = arith.constant 0 : i32
        %dma_start3A_197 = tpu.memref_slice %arg19[%dma_start3A_195, %dma_start3A_196] : memref<512x64xf32, #tpu.memory_space<vmem>> -> memref<128x64xf32, #tpu.memory_space<vmem>>
        %dma_start3A_198 = arith.constant 0 : i32
        %dma_start3A_199 = tpu.memref_slice %arg14[%dma_start3A_194, %dma_start3A_198] : memref<4x128xi32, #tpu.memory_space<vmem>> -> memref<1x128xi32, #tpu.memory_space<vmem>>
        %dma_start3A_200 = tpu.memref_squeeze %dma_start3A_199 : memref<1x128xi32, #tpu.memory_space<vmem>> -> memref<128xi32, #tpu.memory_space<vmem>>
        %dma_start3A_201 = arith.constant 0 : i32
        %dma_start3A_202 = arith.constant 0 : i32
        %dma_start3A_203 = tpu.memref_slice %arg2[%dma_start3A_201, %dma_start3A_202] : memref<10240x64xf32, #tpu.memory_space<hbm>> -> memref<10240x64xf32, #tpu.memory_space<hbm>>
        tpu.enqueue_indirect_dma source(%dma_start3A_203 : memref<10240x64xf32, #tpu.memory_space<hbm>>) target(%dma_start3A_197 : memref<128x64xf32, #tpu.memory_space<vmem>>) offsets(%dma_start3A_200 : memref<128xi32, #tpu.memory_space<vmem>>) semaphore(%arg20 : memref<!tpu.dma_semaphore, #tpu.memory_space<semaphore_mem>>)
        %dma_wait3A_204 = arith.constant 0 : i32
        %dma_wait3A_205 = arith.constant 0 : i32
        %dma_wait3A_206 = arith.constant 0 : i32
        %dma_wait3A_207 = tpu.memref_slice %arg19[%dma_wait3A_205, %dma_wait3A_206] : memref<512x64xf32, #tpu.memory_space<vmem>> -> memref<128x64xf32, #tpu.memory_space<vmem>>
        %dma_wait3A_208 = arith.constant 0 : i32
        %dma_wait3A_209 = tpu.memref_slice %arg14[%dma_wait3A_204, %dma_wait3A_208] : memref<4x128xi32, #tpu.memory_space<vmem>> -> memref<1x128xi32, #tpu.memory_space<vmem>>
        %dma_wait3A_210 = tpu.memref_squeeze %dma_wait3A_209 : memref<1x128xi32, #tpu.memory_space<vmem>> -> memref<128xi32, #tpu.memory_space<vmem>>
        %dma_wait3A_211 = arith.constant 0 : i32
        %dma_wait3A_212 = arith.constant 0 : i32
        %dma_wait3A_213 = tpu.memref_slice %arg2[%dma_wait3A_211, %dma_wait3A_212] : memref<10240x64xf32, #tpu.memory_space<hbm>> -> memref<10240x64xf32, #tpu.memory_space<hbm>>
        tpu.wait_indirect_dma semaphore(%arg20 : memref<!tpu.dma_semaphore, #tpu.memory_space<semaphore_mem>>) src(%dma_wait3A_213 : memref<10240x64xf32, #tpu.memory_space<hbm>>) dst(%dma_wait3A_207 : memref<128x64xf32, #tpu.memory_space<vmem>>)
        %dma_start3A_214 = arith.constant 1 : i32
        %dma_start3A_215 = arith.constant 128 : i32
        %dma_start3A_216 = arith.constant 0 : i32
        %dma_start3A_217 = tpu.memref_slice %arg19[%dma_start3A_215, %dma_start3A_216] : memref<512x64xf32, #tpu.memory_space<vmem>> -> memref<128x64xf32, #tpu.memory_space<vmem>>
        %dma_start3A_218 = arith.constant 0 : i32
        %dma_start3A_219 = tpu.memref_slice %arg14[%dma_start3A_214, %dma_start3A_218] : memref<4x128xi32, #tpu.memory_space<vmem>> -> memref<1x128xi32, #tpu.memory_space<vmem>>
        %dma_start3A_220 = tpu.memref_squeeze %dma_start3A_219 : memref<1x128xi32, #tpu.memory_space<vmem>> -> memref<128xi32, #tpu.memory_space<vmem>>
        %dma_start3A_221 = arith.constant 0 : i32
        %dma_start3A_222 = arith.constant 0 : i32
        %dma_start3A_223 = tpu.memref_slice %arg2[%dma_start3A_221, %dma_start3A_222] : memref<10240x64xf32, #tpu.memory_space<hbm>> -> memref<10240x64xf32, #tpu.memory_space<hbm>>
        tpu.enqueue_indirect_dma source(%dma_start3A_223 : memref<10240x64xf32, #tpu.memory_space<hbm>>) target(%dma_start3A_217 : memref<128x64xf32, #tpu.memory_space<vmem>>) offsets(%dma_start3A_220 : memref<128xi32, #tpu.memory_space<vmem>>) semaphore(%arg20 : memref<!tpu.dma_semaphore, #tpu.memory_space<semaphore_mem>>)
        %dma_wait3A_224 = arith.constant 1 : i32
        %dma_wait3A_225 = arith.constant 128 : i32
        %dma_wait3A_226 = arith.constant 0 : i32
        %dma_wait3A_227 = tpu.memref_slice %arg19[%dma_wait3A_225, %dma_wait3A_226] : memref<512x64xf32, #tpu.memory_space<vmem>> -> memref<128x64xf32, #tpu.memory_space<vmem>>
        %dma_wait3A_228 = arith.constant 0 : i32
        %dma_wait3A_229 = tpu.memref_slice %arg14[%dma_wait3A_224, %dma_wait3A_228] : memref<4x128xi32, #tpu.memory_space<vmem>> -> memref<1x128xi32, #tpu.memory_space<vmem>>
        %dma_wait3A_230 = tpu.memref_squeeze %dma_wait3A_229 : memref<1x128xi32, #tpu.memory_space<vmem>> -> memref<128xi32, #tpu.memory_space<vmem>>
        %dma_wait3A_231 = arith.constant 0 : i32
        %dma_wait3A_232 = arith.constant 0 : i32
        %dma_wait3A_233 = tpu.memref_slice %arg2[%dma_wait3A_231, %dma_wait3A_232] : memref<10240x64xf32, #tpu.memory_space<hbm>> -> memref<10240x64xf32, #tpu.memory_space<hbm>>
        tpu.wait_indirect_dma semaphore(%arg20 : memref<!tpu.dma_semaphore, #tpu.memory_space<semaphore_mem>>) src(%dma_wait3A_233 : memref<10240x64xf32, #tpu.memory_space<hbm>>) dst(%dma_wait3A_227 : memref<128x64xf32, #tpu.memory_space<vmem>>)
        %dma_start3A_234 = arith.constant 2 : i32
        %dma_start3A_235 = arith.constant 256 : i32
        %dma_start3A_236 = arith.constant 0 : i32
        %dma_start3A_237 = tpu.memref_slice %arg19[%dma_start3A_235, %dma_start3A_236] : memref<512x64xf32, #tpu.memory_space<vmem>> -> memref<128x64xf32, #tpu.memory_space<vmem>>
        %dma_start3A_238 = arith.constant 0 : i32
        %dma_start3A_239 = tpu.memref_slice %arg14[%dma_start3A_234, %dma_start3A_238] : memref<4x128xi32, #tpu.memory_space<vmem>> -> memref<1x128xi32, #tpu.memory_space<vmem>>
        %dma_start3A_240 = tpu.memref_squeeze %dma_start3A_239 : memref<1x128xi32, #tpu.memory_space<vmem>> -> memref<128xi32, #tpu.memory_space<vmem>>
        %dma_start3A_241 = arith.constant 0 : i32
        %dma_start3A_242 = arith.constant 0 : i32
        %dma_start3A_243 = tpu.memref_slice %arg2[%dma_start3A_241, %dma_start3A_242] : memref<10240x64xf32, #tpu.memory_space<hbm>> -> memref<10240x64xf32, #tpu.memory_space<hbm>>
        tpu.enqueue_indirect_dma source(%dma_start3A_243 : memref<10240x64xf32, #tpu.memory_space<hbm>>) target(%dma_start3A_237 : memref<128x64xf32, #tpu.memory_space<vmem>>) offsets(%dma_start3A_240 : memref<128xi32, #tpu.memory_space<vmem>>) semaphore(%arg20 : memref<!tpu.dma_semaphore, #tpu.memory_space<semaphore_mem>>)
        %dma_wait3A_244 = arith.constant 2 : i32
        %dma_wait3A_245 = arith.constant 256 : i32
        %dma_wait3A_246 = arith.constant 0 : i32
        %dma_wait3A_247 = tpu.memref_slice %arg19[%dma_wait3A_245, %dma_wait3A_246] : memref<512x64xf32, #tpu.memory_space<vmem>> -> memref<128x64xf32, #tpu.memory_space<vmem>>
        %dma_wait3A_248 = arith.constant 0 : i32
        %dma_wait3A_249 = tpu.memref_slice %arg14[%dma_wait3A_244, %dma_wait3A_248] : memref<4x128xi32, #tpu.memory_space<vmem>> -> memref<1x128xi32, #tpu.memory_space<vmem>>
        %dma_wait3A_250 = tpu.memref_squeeze %dma_wait3A_249 : memref<1x128xi32, #tpu.memory_space<vmem>> -> memref<128xi32, #tpu.memory_space<vmem>>
        %dma_wait3A_251 = arith.constant 0 : i32
        %dma_wait3A_252 = arith.constant 0 : i32
        %dma_wait3A_253 = tpu.memref_slice %arg2[%dma_wait3A_251, %dma_wait3A_252] : memref<10240x64xf32, #tpu.memory_space<hbm>> -> memref<10240x64xf32, #tpu.memory_space<hbm>>
        tpu.wait_indirect_dma semaphore(%arg20 : memref<!tpu.dma_semaphore, #tpu.memory_space<semaphore_mem>>) src(%dma_wait3A_253 : memref<10240x64xf32, #tpu.memory_space<hbm>>) dst(%dma_wait3A_247 : memref<128x64xf32, #tpu.memory_space<vmem>>)
        %dma_start3A_254 = arith.constant 3 : i32
        %dma_start3A_255 = arith.constant 384 : i32
        %dma_start3A_256 = arith.constant 0 : i32
        %dma_start3A_257 = tpu.memref_slice %arg19[%dma_start3A_255, %dma_start3A_256] : memref<512x64xf32, #tpu.memory_space<vmem>> -> memref<128x64xf32, #tpu.memory_space<vmem>>
        %dma_start3A_258 = arith.constant 0 : i32
        %dma_start3A_259 = tpu.memref_slice %arg14[%dma_start3A_254, %dma_start3A_258] : memref<4x128xi32, #tpu.memory_space<vmem>> -> memref<1x128xi32, #tpu.memory_space<vmem>>
        %dma_start3A_260 = tpu.memref_squeeze %dma_start3A_259 : memref<1x128xi32, #tpu.memory_space<vmem>> -> memref<128xi32, #tpu.memory_space<vmem>>
        %dma_start3A_261 = arith.constant 0 : i32
        %dma_start3A_262 = arith.constant 0 : i32
        %dma_start3A_263 = tpu.memref_slice %arg2[%dma_start3A_261, %dma_start3A_262] : memref<10240x64xf32, #tpu.memory_space<hbm>> -> memref<10240x64xf32, #tpu.memory_space<hbm>>
        tpu.enqueue_indirect_dma source(%dma_start3A_263 : memref<10240x64xf32, #tpu.memory_space<hbm>>) target(%dma_start3A_257 : memref<128x64xf32, #tpu.memory_space<vmem>>) offsets(%dma_start3A_260 : memref<128xi32, #tpu.memory_space<vmem>>) semaphore(%arg20 : memref<!tpu.dma_semaphore, #tpu.memory_space<semaphore_mem>>)
        %dma_wait3A_264 = arith.constant 3 : i32
        %dma_wait3A_265 = arith.constant 384 : i32
        %dma_wait3A_266 = arith.constant 0 : i32
        %dma_wait3A_267 = tpu.memref_slice %arg19[%dma_wait3A_265, %dma_wait3A_266] : memref<512x64xf32, #tpu.memory_space<vmem>> -> memref<128x64xf32, #tpu.memory_space<vmem>>
        %dma_wait3A_268 = arith.constant 0 : i32
        %dma_wait3A_269 = tpu.memref_slice %arg14[%dma_wait3A_264, %dma_wait3A_268] : memref<4x128xi32, #tpu.memory_space<vmem>> -> memref<1x128xi32, #tpu.memory_space<vmem>>
        %dma_wait3A_270 = tpu.memref_squeeze %dma_wait3A_269 : memref<1x128xi32, #tpu.memory_space<vmem>> -> memref<128xi32, #tpu.memory_space<vmem>>
        %dma_wait3A_271 = arith.constant 0 : i32
        %dma_wait3A_272 = arith.constant 0 : i32
        %dma_wait3A_273 = tpu.memref_slice %arg2[%dma_wait3A_271, %dma_wait3A_272] : memref<10240x64xf32, #tpu.memory_space<hbm>> -> memref<10240x64xf32, #tpu.memory_space<hbm>>
        tpu.wait_indirect_dma semaphore(%arg20 : memref<!tpu.dma_semaphore, #tpu.memory_space<semaphore_mem>>) src(%dma_wait3A_273 : memref<10240x64xf32, #tpu.memory_space<hbm>>) dst(%dma_wait3A_267 : memref<128x64xf32, #tpu.memory_space<vmem>>)
        %scan3A_274 = arith.constant 0 : i32
        %scan3A_275 = arith.constant 0 : i32
        %scan3A_276 = arith.constant 512 : i32
        %scan3A_277 = arith.addi %scan3A_275, %scan3A_276 : i32
        %scan3A_278 = arith.constant 2 : i32
        scf.for %scan3A_280 = %scan3A_275 to %scan3A_277 step %scan3A_278  : i32 {
          %get3A = arith.index_cast %scan3A_280 : i32 to index
          %get3A_281 = arith.constant 0 : index
          %get3A_282 = tpu.vector_load %arg16[%get3A, %get3A_281] {strides = array<i32>} : memref<512x16xf32, #tpu.memory_space<vmem>>, vector<1x16xf32>,
          %get3A_283 = vector.shape_cast %get3A_282 : vector<1x16xf32> to vector<16xf32>
          %get3A_284 = arith.index_cast %scan3A_280 : i32 to index
          %get3A_285 = arith.constant 0 : index
          %get3A_286 = tpu.vector_load %arg17[%get3A_284, %get3A_285] {strides = array<i32>} : memref<512x16xf32, #tpu.memory_space<vmem>>, vector<1x16xf32>,
          %get3A_287 = vector.shape_cast %get3A_286 : vector<1x16xf32> to vector<16xf32>
          %add3A_288 = arith.addf %get3A_283, %get3A_287 : vector<16xf32>
          %ge3A = arith.constant 0.000000e+00 : f32
          %ge3A_289 = vector.broadcast %ge3A : f32 to vector<16xf32>
          %ge3A_290 = arith.cmpf oge, %add3A_288, %ge3A_289 : vector<16xf32>
          %mul3A_291 = arith.constant 2.000000e-01 : f32
          %mul3A_292 = vector.broadcast %mul3A_291 : f32 to vector<16xf32>
          %mul3A_293 = arith.mulf %add3A_288, %mul3A_292 : vector<16xf32>
          %select_n3A = arith.select %ge3A_290, %add3A_288, %mul3A_293 : vector<16xi1>, vector<16xf32>
          %exp3A = math.exp %select_n3A : vector<16xf32>
          %swap3A = arith.index_cast %scan3A_280 : i32 to index
          %swap3A_294 = arith.constant 0 : index
          %swap3A_295 = tpu.vector_load %arg18[%swap3A, %swap3A_294] {strides = array<i32>} : memref<512x16xf32, #tpu.memory_space<vmem>>, vector<1x16xf32>,
          %swap3A_296 = vector.shape_cast %swap3A_295 : vector<1x16xf32> to vector<16xf32>
          %swap3A_297 = vector.shape_cast %exp3A : vector<16xf32> to vector<1x16xf32>
          tpu.vector_store %arg18[%swap3A, %swap3A_294], %swap3A_297 {strides = array<i32>} : memref<512x16xf32, #tpu.memory_space<vmem>>, vector<1x16xf32>,
          %slice3A = vector.extract_strided_slice %exp3A {offsets = [0], sizes = [1], strides = [1]} : vector<16xf32> to vector<1xf32>
          %squeeze3A = vector.extract %slice3A[0] : f32 from vector<1xf32>
          %get3A_298 = arith.index_cast %scan3A_280 : i32 to index
          %get3A_299 = arith.constant 0 : index
          %get3A_300 = tpu.vector_load %arg19[%get3A_298, %get3A_299] {strides = array<i32>} : memref<512x64xf32, #tpu.memory_space<vmem>>, vector<1x16xf32>,
          %get3A_301 = vector.shape_cast %get3A_300 : vector<1x16xf32> to vector<16xf32>
          %mul3A_302 = vector.broadcast %squeeze3A : f32 to vector<16xf32>
          %mul3A_303 = arith.mulf %get3A_301, %mul3A_302 : vector<16xf32>
          %swap3A_304 = arith.index_cast %scan3A_280 : i32 to index
          %swap3A_305 = arith.constant 0 : index
          %swap3A_306 = tpu.vector_load %arg19[%swap3A_304, %swap3A_305] {strides = array<i32>} : memref<512x64xf32, #tpu.memory_space<vmem>>, vector<1x16xf32>,
          %swap3A_307 = vector.shape_cast %swap3A_306 : vector<1x16xf32> to vector<16xf32>
          %swap3A_308 = vector.shape_cast %mul3A_303 : vector<16xf32> to vector<1x16xf32>
          tpu.vector_store %arg19[%swap3A_304, %swap3A_305], %swap3A_308 {strides = array<i32>} : memref<512x64xf32, #tpu.memory_space<vmem>>, vector<1x16xf32>,
          %get3A_309 = arith.index_cast %scan3A_280 : i32 to index
          %get3A_310 = arith.constant 16 : index
          %get3A_311 = tpu.vector_load %arg19[%get3A_309, %get3A_310] {strides = array<i32>} : memref<512x64xf32, #tpu.memory_space<vmem>>, vector<1x16xf32>,
          %get3A_312 = vector.shape_cast %get3A_311 : vector<1x16xf32> to vector<16xf32>
          %mul3A_313 = vector.broadcast %squeeze3A : f32 to vector<16xf32>
          %mul3A_314 = arith.mulf %get3A_312, %mul3A_313 : vector<16xf32>
          %swap3A_315 = arith.index_cast %scan3A_280 : i32 to index
          %swap3A_316 = arith.constant 16 : index
          %swap3A_317 = tpu.vector_load %arg19[%swap3A_315, %swap3A_316] {strides = array<i32>} : memref<512x64xf32, #tpu.memory_space<vmem>>, vector<1x16xf32>,
          %swap3A_318 = vector.shape_cast %swap3A_317 : vector<1x16xf32> to vector<16xf32>
          %swap3A_319 = vector.shape_cast %mul3A_314 : vector<16xf32> to vector<1x16xf32>
          tpu.vector_store %arg19[%swap3A_315, %swap3A_316], %swap3A_319 {strides = array<i32>} : memref<512x64xf32, #tpu.memory_space<vmem>>, vector<1x16xf32>,
          %slice3A_320 = vector.extract_strided_slice %exp3A {offsets = [1], sizes = [1], strides = [1]} : vector<16xf32> to vector<1xf32>
          %squeeze3A_321 = vector.extract %slice3A_320[0] : f32 from vector<1xf32>
          %get3A_322 = arith.index_cast %scan3A_280 : i32 to index
          %get3A_323 = arith.constant 32 : index
          %get3A_324 = tpu.vector_load %arg19[%get3A_322, %get3A_323] {strides = array<i32>} : memref<512x64xf32, #tpu.memory_space<vmem>>, vector<1x16xf32>,
          %get3A_325 = vector.shape_cast %get3A_324 : vector<1x16xf32> to vector<16xf32>
          %mul3A_326 = vector.broadcast %squeeze3A_321 : f32 to vector<16xf32>
          %mul3A_327 = arith.mulf %get3A_325, %mul3A_326 : vector<16xf32>
          %swap3A_328 = arith.index_cast %scan3A_280 : i32 to index
          %swap3A_329 = arith.constant 32 : index
          %swap3A_330 = tpu.vector_load %arg19[%swap3A_328, %swap3A_329] {strides = array<i32>} : memref<512x64xf32, #tpu.memory_space<vmem>>, vector<1x16xf32>,
          %swap3A_331 = vector.shape_cast %swap3A_330 : vector<1x16xf32> to vector<16xf32>
          %swap3A_332 = vector.shape_cast %mul3A_327 : vector<16xf32> to vector<1x16xf32>
          tpu.vector_store %arg19[%swap3A_328, %swap3A_329], %swap3A_332 {strides = array<i32>} : memref<512x64xf32, #tpu.memory_space<vmem>>, vector<1x16xf32>,
          %get3A_333 = arith.index_cast %scan3A_280 : i32 to index
          %get3A_334 = arith.constant 48 : index
          %get3A_335 = tpu.vector_load %arg19[%get3A_333, %get3A_334] {strides = array<i32>} : memref<512x64xf32, #tpu.memory_space<vmem>>, vector<1x16xf32>,
          %get3A_336 = vector.shape_cast %get3A_335 : vector<1x16xf32> to vector<16xf32>
          %mul3A_337 = vector.broadcast %squeeze3A_321 : f32 to vector<16xf32>
          %mul3A_338 = arith.mulf %get3A_336, %mul3A_337 : vector<16xf32>
          %swap3A_339 = arith.index_cast %scan3A_280 : i32 to index
          %swap3A_340 = arith.constant 48 : index
          %swap3A_341 = tpu.vector_load %arg19[%swap3A_339, %swap3A_340] {strides = array<i32>} : memref<512x64xf32, #tpu.memory_space<vmem>>, vector<1x16xf32>,
          %swap3A_342 = vector.shape_cast %swap3A_341 : vector<1x16xf32> to vector<16xf32>
          %swap3A_343 = vector.shape_cast %mul3A_338 : vector<16xf32> to vector<1x16xf32>
          tpu.vector_store %arg19[%swap3A_339, %swap3A_340], %swap3A_343 {strides = array<i32>} : memref<512x64xf32, #tpu.memory_space<vmem>>, vector<1x16xf32>,
          %scan3A_344 = arith.constant 1 : i32
          %scan3A_345 = arith.addi %scan3A_280, %scan3A_344 : i32
          %get3A_346 = arith.index_cast %scan3A_345 : i32 to index
          %get3A_347 = arith.constant 0 : index
          %get3A_348 = tpu.vector_load %arg16[%get3A_346, %get3A_347] {strides = array<i32>} : memref<512x16xf32, #tpu.memory_space<vmem>>, vector<1x16xf32>,
          %get3A_349 = vector.shape_cast %get3A_348 : vector<1x16xf32> to vector<16xf32>
          %get3A_350 = arith.index_cast %scan3A_345 : i32 to index
          %get3A_351 = arith.constant 0 : index
          %get3A_352 = tpu.vector_load %arg17[%get3A_350, %get3A_351] {strides = array<i32>} : memref<512x16xf32, #tpu.memory_space<vmem>>, vector<1x16xf32>,
          %get3A_353 = vector.shape_cast %get3A_352 : vector<1x16xf32> to vector<16xf32>
          %add3A_354 = arith.addf %get3A_349, %get3A_353 : vector<16xf32>
          %ge3A_355 = arith.constant 0.000000e+00 : f32
          %ge3A_356 = vector.broadcast %ge3A_355 : f32 to vector<16xf32>
          %ge3A_357 = arith.cmpf oge, %add3A_354, %ge3A_356 : vector<16xf32>
          %mul3A_358 = arith.constant 2.000000e-01 : f32
          %mul3A_359 = vector.broadcast %mul3A_358 : f32 to vector<16xf32>
          %mul3A_360 = arith.mulf %add3A_354, %mul3A_359 : vector<16xf32>
          %select_n3A_361 = arith.select %ge3A_357, %add3A_354, %mul3A_360 : vector<16xi1>, vector<16xf32>
          %exp3A_362 = math.exp %select_n3A_361 : vector<16xf32>
          %swap3A_363 = arith.index_cast %scan3A_345 : i32 to index
          %swap3A_364 = arith.constant 0 : index
          %swap3A_365 = tpu.vector_load %arg18[%swap3A_363, %swap3A_364] {strides = array<i32>} : memref<512x16xf32, #tpu.memory_space<vmem>>, vector<1x16xf32>,
          %swap3A_366 = vector.shape_cast %swap3A_365 : vector<1x16xf32> to vector<16xf32>
          %swap3A_367 = vector.shape_cast %exp3A_362 : vector<16xf32> to vector<1x16xf32>
          tpu.vector_store %arg18[%swap3A_363, %swap3A_364], %swap3A_367 {strides = array<i32>} : memref<512x16xf32, #tpu.memory_space<vmem>>, vector<1x16xf32>,
          %slice3A_368 = vector.extract_strided_slice %exp3A_362 {offsets = [0], sizes = [1], strides = [1]} : vector<16xf32> to vector<1xf32>
          %squeeze3A_369 = vector.extract %slice3A_368[0] : f32 from vector<1xf32>
          %get3A_370 = arith.index_cast %scan3A_345 : i32 to index
          %get3A_371 = arith.constant 0 : index
          %get3A_372 = tpu.vector_load %arg19[%get3A_370, %get3A_371] {strides = array<i32>} : memref<512x64xf32, #tpu.memory_space<vmem>>, vector<1x16xf32>,
          %get3A_373 = vector.shape_cast %get3A_372 : vector<1x16xf32> to vector<16xf32>
          %mul3A_374 = vector.broadcast %squeeze3A_369 : f32 to vector<16xf32>
          %mul3A_375 = arith.mulf %get3A_373, %mul3A_374 : vector<16xf32>
          %swap3A_376 = arith.index_cast %scan3A_345 : i32 to index
          %swap3A_377 = arith.constant 0 : index
          %swap3A_378 = tpu.vector_load %arg19[%swap3A_376, %swap3A_377] {strides = array<i32>} : memref<512x64xf32, #tpu.memory_space<vmem>>, vector<1x16xf32>,
          %swap3A_379 = vector.shape_cast %swap3A_378 : vector<1x16xf32> to vector<16xf32>
          %swap3A_380 = vector.shape_cast %mul3A_375 : vector<16xf32> to vector<1x16xf32>
          tpu.vector_store %arg19[%swap3A_376, %swap3A_377], %swap3A_380 {strides = array<i32>} : memref<512x64xf32, #tpu.memory_space<vmem>>, vector<1x16xf32>,
          %get3A_381 = arith.index_cast %scan3A_345 : i32 to index
          %get3A_382 = arith.constant 16 : index
          %get3A_383 = tpu.vector_load %arg19[%get3A_381, %get3A_382] {strides = array<i32>} : memref<512x64xf32, #tpu.memory_space<vmem>>, vector<1x16xf32>,
          %get3A_384 = vector.shape_cast %get3A_383 : vector<1x16xf32> to vector<16xf32>
          %mul3A_385 = vector.broadcast %squeeze3A_369 : f32 to vector<16xf32>
          %mul3A_386 = arith.mulf %get3A_384, %mul3A_385 : vector<16xf32>
          %swap3A_387 = arith.index_cast %scan3A_345 : i32 to index
          %swap3A_388 = arith.constant 16 : index
          %swap3A_389 = tpu.vector_load %arg19[%swap3A_387, %swap3A_388] {strides = array<i32>} : memref<512x64xf32, #tpu.memory_space<vmem>>, vector<1x16xf32>,
          %swap3A_390 = vector.shape_cast %swap3A_389 : vector<1x16xf32> to vector<16xf32>
          %swap3A_391 = vector.shape_cast %mul3A_386 : vector<16xf32> to vector<1x16xf32>
          tpu.vector_store %arg19[%swap3A_387, %swap3A_388], %swap3A_391 {strides = array<i32>} : memref<512x64xf32, #tpu.memory_space<vmem>>, vector<1x16xf32>,
          %slice3A_392 = vector.extract_strided_slice %exp3A_362 {offsets = [1], sizes = [1], strides = [1]} : vector<16xf32> to vector<1xf32>
          %squeeze3A_393 = vector.extract %slice3A_392[0] : f32 from vector<1xf32>
          %get3A_394 = arith.index_cast %scan3A_345 : i32 to index
          %get3A_395 = arith.constant 32 : index
          %get3A_396 = tpu.vector_load %arg19[%get3A_394, %get3A_395] {strides = array<i32>} : memref<512x64xf32, #tpu.memory_space<vmem>>, vector<1x16xf32>,
          %get3A_397 = vector.shape_cast %get3A_396 : vector<1x16xf32> to vector<16xf32>
          %mul3A_398 = vector.broadcast %squeeze3A_393 : f32 to vector<16xf32>
          %mul3A_399 = arith.mulf %get3A_397, %mul3A_398 : vector<16xf32>
          %swap3A_400 = arith.index_cast %scan3A_345 : i32 to index
          %swap3A_401 = arith.constant 32 : index
          %swap3A_402 = tpu.vector_load %arg19[%swap3A_400, %swap3A_401] {strides = array<i32>} : memref<512x64xf32, #tpu.memory_space<vmem>>, vector<1x16xf32>,
          %swap3A_403 = vector.shape_cast %swap3A_402 : vector<1x16xf32> to vector<16xf32>
          %swap3A_404 = vector.shape_cast %mul3A_399 : vector<16xf32> to vector<1x16xf32>
          tpu.vector_store %arg19[%swap3A_400, %swap3A_401], %swap3A_404 {strides = array<i32>} : memref<512x64xf32, #tpu.memory_space<vmem>>, vector<1x16xf32>,
          %get3A_405 = arith.index_cast %scan3A_345 : i32 to index
          %get3A_406 = arith.constant 48 : index
          %get3A_407 = tpu.vector_load %arg19[%get3A_405, %get3A_406] {strides = array<i32>} : memref<512x64xf32, #tpu.memory_space<vmem>>, vector<1x16xf32>,
          %get3A_408 = vector.shape_cast %get3A_407 : vector<1x16xf32> to vector<16xf32>
          %mul3A_409 = vector.broadcast %squeeze3A_393 : f32 to vector<16xf32>
          %mul3A_410 = arith.mulf %get3A_408, %mul3A_409 : vector<16xf32>
          %swap3A_411 = arith.index_cast %scan3A_345 : i32 to index
          %swap3A_412 = arith.constant 48 : index
          %swap3A_413 = tpu.vector_load %arg19[%swap3A_411, %swap3A_412] {strides = array<i32>} : memref<512x64xf32, #tpu.memory_space<vmem>>, vector<1x16xf32>,
          %swap3A_414 = vector.shape_cast %swap3A_413 : vector<1x16xf32> to vector<16xf32>
          %swap3A_415 = vector.shape_cast %mul3A_410 : vector<16xf32> to vector<1x16xf32>
          tpu.vector_store %arg19[%swap3A_411, %swap3A_412], %swap3A_415 {strides = array<i32>} : memref<512x64xf32, #tpu.memory_space<vmem>>, vector<1x16xf32>,
        }
        %scan3A_279 = arith.constant 512 : i32
      } else {
      }
      %eq3A_182 = arith.constant 1 : i32
      %eq3A_183 = arith.cmpi eq, %arg0, %eq3A_182 : i32
      %convert_element_type3A_184 = arith.extui %eq3A_183 : i1 to i32
      %cond3A_185 = arith.constant 0 : i32
      %cond3A_186 = arith.cmpi ne, %convert_element_type3A_184, %cond3A_185 : i32
      scf.if %cond3A_186 {
        %dma_start3A_194 = arith.constant 0 : i32
        %dma_start3A_195 = arith.constant 0 : i32
        %dma_start3A_196 = arith.constant 0 : i32
        %dma_start3A_197 = tpu.memref_slice %arg19[%dma_start3A_195, %dma_start3A_196] : memref<512x64xf32, #tpu.memory_space<vmem>> -> memref<128x64xf32, #tpu.memory_space<vmem>>
        %dma_start3A_198 = arith.constant 0 : i32
        %dma_start3A_199 = tpu.memref_slice %arg14[%dma_start3A_194, %dma_start3A_198] : memref<4x128xi32, #tpu.memory_space<vmem>> -> memref<1x128xi32, #tpu.memory_space<vmem>>
        %dma_start3A_200 = tpu.memref_squeeze %dma_start3A_199 : memref<1x128xi32, #tpu.memory_space<vmem>> -> memref<128xi32, #tpu.memory_space<vmem>>
        %dma_start3A_201 = arith.constant 0 : i32
        %dma_start3A_202 = arith.constant 0 : i32
        %dma_start3A_203 = tpu.memref_slice %arg3[%dma_start3A_201, %dma_start3A_202] : memref<10240x64xf32, #tpu.memory_space<hbm>> -> memref<10240x64xf32, #tpu.memory_space<hbm>>
        tpu.enqueue_indirect_dma source(%dma_start3A_203 : memref<10240x64xf32, #tpu.memory_space<hbm>>) target(%dma_start3A_197 : memref<128x64xf32, #tpu.memory_space<vmem>>) offsets(%dma_start3A_200 : memref<128xi32, #tpu.memory_space<vmem>>) semaphore(%arg20 : memref<!tpu.dma_semaphore, #tpu.memory_space<semaphore_mem>>)
        %dma_wait3A_204 = arith.constant 0 : i32
        %dma_wait3A_205 = arith.constant 0 : i32
        %dma_wait3A_206 = arith.constant 0 : i32
        %dma_wait3A_207 = tpu.memref_slice %arg19[%dma_wait3A_205, %dma_wait3A_206] : memref<512x64xf32, #tpu.memory_space<vmem>> -> memref<128x64xf32, #tpu.memory_space<vmem>>
        %dma_wait3A_208 = arith.constant 0 : i32
        %dma_wait3A_209 = tpu.memref_slice %arg14[%dma_wait3A_204, %dma_wait3A_208] : memref<4x128xi32, #tpu.memory_space<vmem>> -> memref<1x128xi32, #tpu.memory_space<vmem>>
        %dma_wait3A_210 = tpu.memref_squeeze %dma_wait3A_209 : memref<1x128xi32, #tpu.memory_space<vmem>> -> memref<128xi32, #tpu.memory_space<vmem>>
        %dma_wait3A_211 = arith.constant 0 : i32
        %dma_wait3A_212 = arith.constant 0 : i32
        %dma_wait3A_213 = tpu.memref_slice %arg3[%dma_wait3A_211, %dma_wait3A_212] : memref<10240x64xf32, #tpu.memory_space<hbm>> -> memref<10240x64xf32, #tpu.memory_space<hbm>>
        tpu.wait_indirect_dma semaphore(%arg20 : memref<!tpu.dma_semaphore, #tpu.memory_space<semaphore_mem>>) src(%dma_wait3A_213 : memref<10240x64xf32, #tpu.memory_space<hbm>>) dst(%dma_wait3A_207 : memref<128x64xf32, #tpu.memory_space<vmem>>)
        %dma_start3A_214 = arith.constant 1 : i32
        %dma_start3A_215 = arith.constant 128 : i32
        %dma_start3A_216 = arith.constant 0 : i32
        %dma_start3A_217 = tpu.memref_slice %arg19[%dma_start3A_215, %dma_start3A_216] : memref<512x64xf32, #tpu.memory_space<vmem>> -> memref<128x64xf32, #tpu.memory_space<vmem>>
        %dma_start3A_218 = arith.constant 0 : i32
        %dma_start3A_219 = tpu.memref_slice %arg14[%dma_start3A_214, %dma_start3A_218] : memref<4x128xi32, #tpu.memory_space<vmem>> -> memref<1x128xi32, #tpu.memory_space<vmem>>
        %dma_start3A_220 = tpu.memref_squeeze %dma_start3A_219 : memref<1x128xi32, #tpu.memory_space<vmem>> -> memref<128xi32, #tpu.memory_space<vmem>>
        %dma_start3A_221 = arith.constant 0 : i32
        %dma_start3A_222 = arith.constant 0 : i32
        %dma_start3A_223 = tpu.memref_slice %arg3[%dma_start3A_221, %dma_start3A_222] : memref<10240x64xf32, #tpu.memory_space<hbm>> -> memref<10240x64xf32, #tpu.memory_space<hbm>>
        tpu.enqueue_indirect_dma source(%dma_start3A_223 : memref<10240x64xf32, #tpu.memory_space<hbm>>) target(%dma_start3A_217 : memref<128x64xf32, #tpu.memory_space<vmem>>) offsets(%dma_start3A_220 : memref<128xi32, #tpu.memory_space<vmem>>) semaphore(%arg20 : memref<!tpu.dma_semaphore, #tpu.memory_space<semaphore_mem>>)
        %dma_wait3A_224 = arith.constant 1 : i32
        %dma_wait3A_225 = arith.constant 128 : i32
        %dma_wait3A_226 = arith.constant 0 : i32
        %dma_wait3A_227 = tpu.memref_slice %arg19[%dma_wait3A_225, %dma_wait3A_226] : memref<512x64xf32, #tpu.memory_space<vmem>> -> memref<128x64xf32, #tpu.memory_space<vmem>>
        %dma_wait3A_228 = arith.constant 0 : i32
        %dma_wait3A_229 = tpu.memref_slice %arg14[%dma_wait3A_224, %dma_wait3A_228] : memref<4x128xi32, #tpu.memory_space<vmem>> -> memref<1x128xi32, #tpu.memory_space<vmem>>
        %dma_wait3A_230 = tpu.memref_squeeze %dma_wait3A_229 : memref<1x128xi32, #tpu.memory_space<vmem>> -> memref<128xi32, #tpu.memory_space<vmem>>
        %dma_wait3A_231 = arith.constant 0 : i32
        %dma_wait3A_232 = arith.constant 0 : i32
        %dma_wait3A_233 = tpu.memref_slice %arg3[%dma_wait3A_231, %dma_wait3A_232] : memref<10240x64xf32, #tpu.memory_space<hbm>> -> memref<10240x64xf32, #tpu.memory_space<hbm>>
        tpu.wait_indirect_dma semaphore(%arg20 : memref<!tpu.dma_semaphore, #tpu.memory_space<semaphore_mem>>) src(%dma_wait3A_233 : memref<10240x64xf32, #tpu.memory_space<hbm>>) dst(%dma_wait3A_227 : memref<128x64xf32, #tpu.memory_space<vmem>>)
        %dma_start3A_234 = arith.constant 2 : i32
        %dma_start3A_235 = arith.constant 256 : i32
        %dma_start3A_236 = arith.constant 0 : i32
        %dma_start3A_237 = tpu.memref_slice %arg19[%dma_start3A_235, %dma_start3A_236] : memref<512x64xf32, #tpu.memory_space<vmem>> -> memref<128x64xf32, #tpu.memory_space<vmem>>
        %dma_start3A_238 = arith.constant 0 : i32
        %dma_start3A_239 = tpu.memref_slice %arg14[%dma_start3A_234, %dma_start3A_238] : memref<4x128xi32, #tpu.memory_space<vmem>> -> memref<1x128xi32, #tpu.memory_space<vmem>>
        %dma_start3A_240 = tpu.memref_squeeze %dma_start3A_239 : memref<1x128xi32, #tpu.memory_space<vmem>> -> memref<128xi32, #tpu.memory_space<vmem>>
        %dma_start3A_241 = arith.constant 0 : i32
        %dma_start3A_242 = arith.constant 0 : i32
        %dma_start3A_243 = tpu.memref_slice %arg3[%dma_start3A_241, %dma_start3A_242] : memref<10240x64xf32, #tpu.memory_space<hbm>> -> memref<10240x64xf32, #tpu.memory_space<hbm>>
        tpu.enqueue_indirect_dma source(%dma_start3A_243 : memref<10240x64xf32, #tpu.memory_space<hbm>>) target(%dma_start3A_237 : memref<128x64xf32, #tpu.memory_space<vmem>>) offsets(%dma_start3A_240 : memref<128xi32, #tpu.memory_space<vmem>>) semaphore(%arg20 : memref<!tpu.dma_semaphore, #tpu.memory_space<semaphore_mem>>)
        %dma_wait3A_244 = arith.constant 2 : i32
        %dma_wait3A_245 = arith.constant 256 : i32
        %dma_wait3A_246 = arith.constant 0 : i32
        %dma_wait3A_247 = tpu.memref_slice %arg19[%dma_wait3A_245, %dma_wait3A_246] : memref<512x64xf32, #tpu.memory_space<vmem>> -> memref<128x64xf32, #tpu.memory_space<vmem>>
        %dma_wait3A_248 = arith.constant 0 : i32
        %dma_wait3A_249 = tpu.memref_slice %arg14[%dma_wait3A_244, %dma_wait3A_248] : memref<4x128xi32, #tpu.memory_space<vmem>> -> memref<1x128xi32, #tpu.memory_space<vmem>>
        %dma_wait3A_250 = tpu.memref_squeeze %dma_wait3A_249 : memref<1x128xi32, #tpu.memory_space<vmem>> -> memref<128xi32, #tpu.memory_space<vmem>>
        %dma_wait3A_251 = arith.constant 0 : i32
        %dma_wait3A_252 = arith.constant 0 : i32
        %dma_wait3A_253 = tpu.memref_slice %arg3[%dma_wait3A_251, %dma_wait3A_252] : memref<10240x64xf32, #tpu.memory_space<hbm>> -> memref<10240x64xf32, #tpu.memory_space<hbm>>
        tpu.wait_indirect_dma semaphore(%arg20 : memref<!tpu.dma_semaphore, #tpu.memory_space<semaphore_mem>>) src(%dma_wait3A_253 : memref<10240x64xf32, #tpu.memory_space<hbm>>) dst(%dma_wait3A_247 : memref<128x64xf32, #tpu.memory_space<vmem>>)
        %dma_start3A_254 = arith.constant 3 : i32
        %dma_start3A_255 = arith.constant 384 : i32
        %dma_start3A_256 = arith.constant 0 : i32
        %dma_start3A_257 = tpu.memref_slice %arg19[%dma_start3A_255, %dma_start3A_256] : memref<512x64xf32, #tpu.memory_space<vmem>> -> memref<128x64xf32, #tpu.memory_space<vmem>>
        %dma_start3A_258 = arith.constant 0 : i32
        %dma_start3A_259 = tpu.memref_slice %arg14[%dma_start3A_254, %dma_start3A_258] : memref<4x128xi32, #tpu.memory_space<vmem>> -> memref<1x128xi32, #tpu.memory_space<vmem>>
        %dma_start3A_260 = tpu.memref_squeeze %dma_start3A_259 : memref<1x128xi32, #tpu.memory_space<vmem>> -> memref<128xi32, #tpu.memory_space<vmem>>
        %dma_start3A_261 = arith.constant 0 : i32
        %dma_start3A_262 = arith.constant 0 : i32
        %dma_start3A_263 = tpu.memref_slice %arg3[%dma_start3A_261, %dma_start3A_262] : memref<10240x64xf32, #tpu.memory_space<hbm>> -> memref<10240x64xf32, #tpu.memory_space<hbm>>
        tpu.enqueue_indirect_dma source(%dma_start3A_263 : memref<10240x64xf32, #tpu.memory_space<hbm>>) target(%dma_start3A_257 : memref<128x64xf32, #tpu.memory_space<vmem>>) offsets(%dma_start3A_260 : memref<128xi32, #tpu.memory_space<vmem>>) semaphore(%arg20 : memref<!tpu.dma_semaphore, #tpu.memory_space<semaphore_mem>>)
        %dma_wait3A_264 = arith.constant 3 : i32
        %dma_wait3A_265 = arith.constant 384 : i32
        %dma_wait3A_266 = arith.constant 0 : i32
        %dma_wait3A_267 = tpu.memref_slice %arg19[%dma_wait3A_265, %dma_wait3A_266] : memref<512x64xf32, #tpu.memory_space<vmem>> -> memref<128x64xf32, #tpu.memory_space<vmem>>
        %dma_wait3A_268 = arith.constant 0 : i32
        %dma_wait3A_269 = tpu.memref_slice %arg14[%dma_wait3A_264, %dma_wait3A_268] : memref<4x128xi32, #tpu.memory_space<vmem>> -> memref<1x128xi32, #tpu.memory_space<vmem>>
        %dma_wait3A_270 = tpu.memref_squeeze %dma_wait3A_269 : memref<1x128xi32, #tpu.memory_space<vmem>> -> memref<128xi32, #tpu.memory_space<vmem>>
        %dma_wait3A_271 = arith.constant 0 : i32
        %dma_wait3A_272 = arith.constant 0 : i32
        %dma_wait3A_273 = tpu.memref_slice %arg3[%dma_wait3A_271, %dma_wait3A_272] : memref<10240x64xf32, #tpu.memory_space<hbm>> -> memref<10240x64xf32, #tpu.memory_space<hbm>>
        tpu.wait_indirect_dma semaphore(%arg20 : memref<!tpu.dma_semaphore, #tpu.memory_space<semaphore_mem>>) src(%dma_wait3A_273 : memref<10240x64xf32, #tpu.memory_space<hbm>>) dst(%dma_wait3A_267 : memref<128x64xf32, #tpu.memory_space<vmem>>)
        %scan3A_274 = arith.constant 0 : i32
        %scan3A_275 = arith.constant 0 : i32
        %scan3A_276 = arith.constant 512 : i32
        %scan3A_277 = arith.addi %scan3A_275, %scan3A_276 : i32
        %scan3A_278 = arith.constant 2 : i32
        scf.for %scan3A_280 = %scan3A_275 to %scan3A_277 step %scan3A_278  : i32 {
          %get3A = arith.index_cast %scan3A_280 : i32 to index
          %get3A_281 = arith.constant 0 : index
          %get3A_282 = tpu.vector_load %arg16[%get3A, %get3A_281] {strides = array<i32>} : memref<512x16xf32, #tpu.memory_space<vmem>>, vector<1x16xf32>,
          %get3A_283 = vector.shape_cast %get3A_282 : vector<1x16xf32> to vector<16xf32>
          %get3A_284 = arith.index_cast %scan3A_280 : i32 to index
          %get3A_285 = arith.constant 0 : index
          %get3A_286 = tpu.vector_load %arg17[%get3A_284, %get3A_285] {strides = array<i32>} : memref<512x16xf32, #tpu.memory_space<vmem>>, vector<1x16xf32>,
          %get3A_287 = vector.shape_cast %get3A_286 : vector<1x16xf32> to vector<16xf32>
          %add3A_288 = arith.addf %get3A_283, %get3A_287 : vector<16xf32>
          %ge3A = arith.constant 0.000000e+00 : f32
          %ge3A_289 = vector.broadcast %ge3A : f32 to vector<16xf32>
          %ge3A_290 = arith.cmpf oge, %add3A_288, %ge3A_289 : vector<16xf32>
          %mul3A_291 = arith.constant 2.000000e-01 : f32
          %mul3A_292 = vector.broadcast %mul3A_291 : f32 to vector<16xf32>
          %mul3A_293 = arith.mulf %add3A_288, %mul3A_292 : vector<16xf32>
          %select_n3A = arith.select %ge3A_290, %add3A_288, %mul3A_293 : vector<16xi1>, vector<16xf32>
          %exp3A = math.exp %select_n3A : vector<16xf32>
          %swap3A = arith.index_cast %scan3A_280 : i32 to index
          %swap3A_294 = arith.constant 0 : index
          %swap3A_295 = tpu.vector_load %arg18[%swap3A, %swap3A_294] {strides = array<i32>} : memref<512x16xf32, #tpu.memory_space<vmem>>, vector<1x16xf32>,
          %swap3A_296 = vector.shape_cast %swap3A_295 : vector<1x16xf32> to vector<16xf32>
          %swap3A_297 = vector.shape_cast %exp3A : vector<16xf32> to vector<1x16xf32>
          tpu.vector_store %arg18[%swap3A, %swap3A_294], %swap3A_297 {strides = array<i32>} : memref<512x16xf32, #tpu.memory_space<vmem>>, vector<1x16xf32>,
          %slice3A = vector.extract_strided_slice %exp3A {offsets = [2], sizes = [1], strides = [1]} : vector<16xf32> to vector<1xf32>
          %squeeze3A = vector.extract %slice3A[0] : f32 from vector<1xf32>
          %get3A_298 = arith.index_cast %scan3A_280 : i32 to index
          %get3A_299 = arith.constant 0 : index
          %get3A_300 = tpu.vector_load %arg19[%get3A_298, %get3A_299] {strides = array<i32>} : memref<512x64xf32, #tpu.memory_space<vmem>>, vector<1x16xf32>,
          %get3A_301 = vector.shape_cast %get3A_300 : vector<1x16xf32> to vector<16xf32>
          %mul3A_302 = vector.broadcast %squeeze3A : f32 to vector<16xf32>
          %mul3A_303 = arith.mulf %get3A_301, %mul3A_302 : vector<16xf32>
          %swap3A_304 = arith.index_cast %scan3A_280 : i32 to index
          %swap3A_305 = arith.constant 0 : index
          %swap3A_306 = tpu.vector_load %arg19[%swap3A_304, %swap3A_305] {strides = array<i32>} : memref<512x64xf32, #tpu.memory_space<vmem>>, vector<1x16xf32>,
          %swap3A_307 = vector.shape_cast %swap3A_306 : vector<1x16xf32> to vector<16xf32>
          %swap3A_308 = vector.shape_cast %mul3A_303 : vector<16xf32> to vector<1x16xf32>
          tpu.vector_store %arg19[%swap3A_304, %swap3A_305], %swap3A_308 {strides = array<i32>} : memref<512x64xf32, #tpu.memory_space<vmem>>, vector<1x16xf32>,
          %get3A_309 = arith.index_cast %scan3A_280 : i32 to index
          %get3A_310 = arith.constant 16 : index
          %get3A_311 = tpu.vector_load %arg19[%get3A_309, %get3A_310] {strides = array<i32>} : memref<512x64xf32, #tpu.memory_space<vmem>>, vector<1x16xf32>,
          %get3A_312 = vector.shape_cast %get3A_311 : vector<1x16xf32> to vector<16xf32>
          %mul3A_313 = vector.broadcast %squeeze3A : f32 to vector<16xf32>
          %mul3A_314 = arith.mulf %get3A_312, %mul3A_313 : vector<16xf32>
          %swap3A_315 = arith.index_cast %scan3A_280 : i32 to index
          %swap3A_316 = arith.constant 16 : index
          %swap3A_317 = tpu.vector_load %arg19[%swap3A_315, %swap3A_316] {strides = array<i32>} : memref<512x64xf32, #tpu.memory_space<vmem>>, vector<1x16xf32>,
          %swap3A_318 = vector.shape_cast %swap3A_317 : vector<1x16xf32> to vector<16xf32>
          %swap3A_319 = vector.shape_cast %mul3A_314 : vector<16xf32> to vector<1x16xf32>
          tpu.vector_store %arg19[%swap3A_315, %swap3A_316], %swap3A_319 {strides = array<i32>} : memref<512x64xf32, #tpu.memory_space<vmem>>, vector<1x16xf32>,
          %slice3A_320 = vector.extract_strided_slice %exp3A {offsets = [3], sizes = [1], strides = [1]} : vector<16xf32> to vector<1xf32>
          %squeeze3A_321 = vector.extract %slice3A_320[0] : f32 from vector<1xf32>
          %get3A_322 = arith.index_cast %scan3A_280 : i32 to index
          %get3A_323 = arith.constant 32 : index
          %get3A_324 = tpu.vector_load %arg19[%get3A_322, %get3A_323] {strides = array<i32>} : memref<512x64xf32, #tpu.memory_space<vmem>>, vector<1x16xf32>,
          %get3A_325 = vector.shape_cast %get3A_324 : vector<1x16xf32> to vector<16xf32>
          %mul3A_326 = vector.broadcast %squeeze3A_321 : f32 to vector<16xf32>
          %mul3A_327 = arith.mulf %get3A_325, %mul3A_326 : vector<16xf32>
          %swap3A_328 = arith.index_cast %scan3A_280 : i32 to index
          %swap3A_329 = arith.constant 32 : index
          %swap3A_330 = tpu.vector_load %arg19[%swap3A_328, %swap3A_329] {strides = array<i32>} : memref<512x64xf32, #tpu.memory_space<vmem>>, vector<1x16xf32>,
          %swap3A_331 = vector.shape_cast %swap3A_330 : vector<1x16xf32> to vector<16xf32>
          %swap3A_332 = vector.shape_cast %mul3A_327 : vector<16xf32> to vector<1x16xf32>
          tpu.vector_store %arg19[%swap3A_328, %swap3A_329], %swap3A_332 {strides = array<i32>} : memref<512x64xf32, #tpu.memory_space<vmem>>, vector<1x16xf32>,
          %get3A_333 = arith.index_cast %scan3A_280 : i32 to index
          %get3A_334 = arith.constant 48 : index
          %get3A_335 = tpu.vector_load %arg19[%get3A_333, %get3A_334] {strides = array<i32>} : memref<512x64xf32, #tpu.memory_space<vmem>>, vector<1x16xf32>,
          %get3A_336 = vector.shape_cast %get3A_335 : vector<1x16xf32> to vector<16xf32>
          %mul3A_337 = vector.broadcast %squeeze3A_321 : f32 to vector<16xf32>
          %mul3A_338 = arith.mulf %get3A_336, %mul3A_337 : vector<16xf32>
          %swap3A_339 = arith.index_cast %scan3A_280 : i32 to index
          %swap3A_340 = arith.constant 48 : index
          %swap3A_341 = tpu.vector_load %arg19[%swap3A_339, %swap3A_340] {strides = array<i32>} : memref<512x64xf32, #tpu.memory_space<vmem>>, vector<1x16xf32>,
          %swap3A_342 = vector.shape_cast %swap3A_341 : vector<1x16xf32> to vector<16xf32>
          %swap3A_343 = vector.shape_cast %mul3A_338 : vector<16xf32> to vector<1x16xf32>
          tpu.vector_store %arg19[%swap3A_339, %swap3A_340], %swap3A_343 {strides = array<i32>} : memref<512x64xf32, #tpu.memory_space<vmem>>, vector<1x16xf32>,
          %scan3A_344 = arith.constant 1 : i32
          %scan3A_345 = arith.addi %scan3A_280, %scan3A_344 : i32
          %get3A_346 = arith.index_cast %scan3A_345 : i32 to index
          %get3A_347 = arith.constant 0 : index
          %get3A_348 = tpu.vector_load %arg16[%get3A_346, %get3A_347] {strides = array<i32>} : memref<512x16xf32, #tpu.memory_space<vmem>>, vector<1x16xf32>,
          %get3A_349 = vector.shape_cast %get3A_348 : vector<1x16xf32> to vector<16xf32>
          %get3A_350 = arith.index_cast %scan3A_345 : i32 to index
          %get3A_351 = arith.constant 0 : index
          %get3A_352 = tpu.vector_load %arg17[%get3A_350, %get3A_351] {strides = array<i32>} : memref<512x16xf32, #tpu.memory_space<vmem>>, vector<1x16xf32>,
          %get3A_353 = vector.shape_cast %get3A_352 : vector<1x16xf32> to vector<16xf32>
          %add3A_354 = arith.addf %get3A_349, %get3A_353 : vector<16xf32>
          %ge3A_355 = arith.constant 0.000000e+00 : f32
          %ge3A_356 = vector.broadcast %ge3A_355 : f32 to vector<16xf32>
          %ge3A_357 = arith.cmpf oge, %add3A_354, %ge3A_356 : vector<16xf32>
          %mul3A_358 = arith.constant 2.000000e-01 : f32
          %mul3A_359 = vector.broadcast %mul3A_358 : f32 to vector<16xf32>
          %mul3A_360 = arith.mulf %add3A_354, %mul3A_359 : vector<16xf32>
          %select_n3A_361 = arith.select %ge3A_357, %add3A_354, %mul3A_360 : vector<16xi1>, vector<16xf32>
          %exp3A_362 = math.exp %select_n3A_361 : vector<16xf32>
          %swap3A_363 = arith.index_cast %scan3A_345 : i32 to index
          %swap3A_364 = arith.constant 0 : index
          %swap3A_365 = tpu.vector_load %arg18[%swap3A_363, %swap3A_364] {strides = array<i32>} : memref<512x16xf32, #tpu.memory_space<vmem>>, vector<1x16xf32>,
          %swap3A_366 = vector.shape_cast %swap3A_365 : vector<1x16xf32> to vector<16xf32>
          %swap3A_367 = vector.shape_cast %exp3A_362 : vector<16xf32> to vector<1x16xf32>
          tpu.vector_store %arg18[%swap3A_363, %swap3A_364], %swap3A_367 {strides = array<i32>} : memref<512x16xf32, #tpu.memory_space<vmem>>, vector<1x16xf32>,
          %slice3A_368 = vector.extract_strided_slice %exp3A_362 {offsets = [2], sizes = [1], strides = [1]} : vector<16xf32> to vector<1xf32>
          %squeeze3A_369 = vector.extract %slice3A_368[0] : f32 from vector<1xf32>
          %get3A_370 = arith.index_cast %scan3A_345 : i32 to index
          %get3A_371 = arith.constant 0 : index
          %get3A_372 = tpu.vector_load %arg19[%get3A_370, %get3A_371] {strides = array<i32>} : memref<512x64xf32, #tpu.memory_space<vmem>>, vector<1x16xf32>,
          %get3A_373 = vector.shape_cast %get3A_372 : vector<1x16xf32> to vector<16xf32>
          %mul3A_374 = vector.broadcast %squeeze3A_369 : f32 to vector<16xf32>
          %mul3A_375 = arith.mulf %get3A_373, %mul3A_374 : vector<16xf32>
          %swap3A_376 = arith.index_cast %scan3A_345 : i32 to index
          %swap3A_377 = arith.constant 0 : index
          %swap3A_378 = tpu.vector_load %arg19[%swap3A_376, %swap3A_377] {strides = array<i32>} : memref<512x64xf32, #tpu.memory_space<vmem>>, vector<1x16xf32>,
          %swap3A_379 = vector.shape_cast %swap3A_378 : vector<1x16xf32> to vector<16xf32>
          %swap3A_380 = vector.shape_cast %mul3A_375 : vector<16xf32> to vector<1x16xf32>
          tpu.vector_store %arg19[%swap3A_376, %swap3A_377], %swap3A_380 {strides = array<i32>} : memref<512x64xf32, #tpu.memory_space<vmem>>, vector<1x16xf32>,
          %get3A_381 = arith.index_cast %scan3A_345 : i32 to index
          %get3A_382 = arith.constant 16 : index
          %get3A_383 = tpu.vector_load %arg19[%get3A_381, %get3A_382] {strides = array<i32>} : memref<512x64xf32, #tpu.memory_space<vmem>>, vector<1x16xf32>,
          %get3A_384 = vector.shape_cast %get3A_383 : vector<1x16xf32> to vector<16xf32>
          %mul3A_385 = vector.broadcast %squeeze3A_369 : f32 to vector<16xf32>
          %mul3A_386 = arith.mulf %get3A_384, %mul3A_385 : vector<16xf32>
          %swap3A_387 = arith.index_cast %scan3A_345 : i32 to index
          %swap3A_388 = arith.constant 16 : index
          %swap3A_389 = tpu.vector_load %arg19[%swap3A_387, %swap3A_388] {strides = array<i32>} : memref<512x64xf32, #tpu.memory_space<vmem>>, vector<1x16xf32>,
          %swap3A_390 = vector.shape_cast %swap3A_389 : vector<1x16xf32> to vector<16xf32>
          %swap3A_391 = vector.shape_cast %mul3A_386 : vector<16xf32> to vector<1x16xf32>
          tpu.vector_store %arg19[%swap3A_387, %swap3A_388], %swap3A_391 {strides = array<i32>} : memref<512x64xf32, #tpu.memory_space<vmem>>, vector<1x16xf32>,
          %slice3A_392 = vector.extract_strided_slice %exp3A_362 {offsets = [3], sizes = [1], strides = [1]} : vector<16xf32> to vector<1xf32>
          %squeeze3A_393 = vector.extract %slice3A_392[0] : f32 from vector<1xf32>
          %get3A_394 = arith.index_cast %scan3A_345 : i32 to index
          %get3A_395 = arith.constant 32 : index
          %get3A_396 = tpu.vector_load %arg19[%get3A_394, %get3A_395] {strides = array<i32>} : memref<512x64xf32, #tpu.memory_space<vmem>>, vector<1x16xf32>,
          %get3A_397 = vector.shape_cast %get3A_396 : vector<1x16xf32> to vector<16xf32>
          %mul3A_398 = vector.broadcast %squeeze3A_393 : f32 to vector<16xf32>
          %mul3A_399 = arith.mulf %get3A_397, %mul3A_398 : vector<16xf32>
          %swap3A_400 = arith.index_cast %scan3A_345 : i32 to index
          %swap3A_401 = arith.constant 32 : index
          %swap3A_402 = tpu.vector_load %arg19[%swap3A_400, %swap3A_401] {strides = array<i32>} : memref<512x64xf32, #tpu.memory_space<vmem>>, vector<1x16xf32>,
          %swap3A_403 = vector.shape_cast %swap3A_402 : vector<1x16xf32> to vector<16xf32>
          %swap3A_404 = vector.shape_cast %mul3A_399 : vector<16xf32> to vector<1x16xf32>
          tpu.vector_store %arg19[%swap3A_400, %swap3A_401], %swap3A_404 {strides = array<i32>} : memref<512x64xf32, #tpu.memory_space<vmem>>, vector<1x16xf32>,
          %get3A_405 = arith.index_cast %scan3A_345 : i32 to index
          %get3A_406 = arith.constant 48 : index
          %get3A_407 = tpu.vector_load %arg19[%get3A_405, %get3A_406] {strides = array<i32>} : memref<512x64xf32, #tpu.memory_space<vmem>>, vector<1x16xf32>,
          %get3A_408 = vector.shape_cast %get3A_407 : vector<1x16xf32> to vector<16xf32>
          %mul3A_409 = vector.broadcast %squeeze3A_393 : f32 to vector<16xf32>
          %mul3A_410 = arith.mulf %get3A_408, %mul3A_409 : vector<16xf32>
          %swap3A_411 = arith.index_cast %scan3A_345 : i32 to index
          %swap3A_412 = arith.constant 48 : index
          %swap3A_413 = tpu.vector_load %arg19[%swap3A_411, %swap3A_412] {strides = array<i32>} : memref<512x64xf32, #tpu.memory_space<vmem>>, vector<1x16xf32>,
          %swap3A_414 = vector.shape_cast %swap3A_413 : vector<1x16xf32> to vector<16xf32>
          %swap3A_415 = vector.shape_cast %mul3A_410 : vector<16xf32> to vector<1x16xf32>
          tpu.vector_store %arg19[%swap3A_411, %swap3A_412], %swap3A_415 {strides = array<i32>} : memref<512x64xf32, #tpu.memory_space<vmem>>, vector<1x16xf32>,
        }
        %scan3A_279 = arith.constant 512 : i32
      } else {
      }
      %run_scoped3A = arith.constant 0 : i32
      "tpu.region"() ({
        %run_scoped3A_194 = tpu.sem_alloc : memref<!tpu.dma_semaphore, #tpu.memory_space<semaphore_mem>>
        %dma_start3A_195 = arith.constant 0 : i32
        %dma_start3A_196 = arith.constant 0 : i32
        %dma_start3A_197 = tpu.memref_slice %arg19[%dma_start3A_195, %dma_start3A_196] : memref<512x64xf32, #tpu.memory_space<vmem>> -> memref<128x64xf32, #tpu.memory_space<vmem>>
        %dma_start3A_198 = arith.constant 0 : i32
        %dma_start3A_199 = tpu.memref_slice %arg15[%run_scoped3A, %dma_start3A_198] : memref<4x128xi32, #tpu.memory_space<vmem>> -> memref<1x128xi32, #tpu.memory_space<vmem>>
        %dma_start3A_200 = tpu.memref_squeeze %dma_start3A_199 : memref<1x128xi32, #tpu.memory_space<vmem>> -> memref<128xi32, #tpu.memory_space<vmem>>
        %dma_start3A_201 = arith.constant 0 : i32
        %dma_start3A_202 = arith.constant 0 : i32
        %dma_start3A_203 = tpu.memref_slice %arg21[%dma_start3A_201, %dma_start3A_202] : memref<10240x64xf32, #tpu.memory_space<vmem_shared>> -> memref<10240x64xf32, #tpu.memory_space<vmem_shared>>
        tpu.enqueue_indirect_dma source(%dma_start3A_197 : memref<128x64xf32, #tpu.memory_space<vmem>>) target(%dma_start3A_203 : memref<10240x64xf32, #tpu.memory_space<vmem_shared>>) offsets(%dma_start3A_200 : memref<128xi32, #tpu.memory_space<vmem>>) semaphore(%run_scoped3A_194 : memref<!tpu.dma_semaphore, #tpu.memory_space<semaphore_mem>>) {add = true}
        %dma_wait3A_204 = arith.constant 0 : i32
        %dma_wait3A_205 = arith.constant 0 : i32
        %dma_wait3A_206 = tpu.memref_slice %arg19[%dma_wait3A_204, %dma_wait3A_205] : memref<512x64xf32, #tpu.memory_space<vmem>> -> memref<128x64xf32, #tpu.memory_space<vmem>>
        %dma_wait3A_207 = arith.constant 0 : i32
        %dma_wait3A_208 = tpu.memref_slice %arg15[%run_scoped3A, %dma_wait3A_207] : memref<4x128xi32, #tpu.memory_space<vmem>> -> memref<1x128xi32, #tpu.memory_space<vmem>>
        %dma_wait3A_209 = tpu.memref_squeeze %dma_wait3A_208 : memref<1x128xi32, #tpu.memory_space<vmem>> -> memref<128xi32, #tpu.memory_space<vmem>>
        %dma_wait3A_210 = arith.constant 0 : i32
        %dma_wait3A_211 = arith.constant 0 : i32
        %dma_wait3A_212 = tpu.memref_slice %arg21[%dma_wait3A_210, %dma_wait3A_211] : memref<10240x64xf32, #tpu.memory_space<vmem_shared>> -> memref<10240x64xf32, #tpu.memory_space<vmem_shared>>
        tpu.wait_indirect_dma semaphore(%run_scoped3A_194 : memref<!tpu.dma_semaphore, #tpu.memory_space<semaphore_mem>>) src(%dma_wait3A_206 : memref<128x64xf32, #tpu.memory_space<vmem>>) dst(%dma_wait3A_212 : memref<10240x64xf32, #tpu.memory_space<vmem_shared>>)
        tpu.yield
      }) : () -> ()
      %run_scoped3A_187 = arith.constant 0 : i32
      "tpu.region"() ({
        %run_scoped3A_194 = tpu.sem_alloc : memref<!tpu.dma_semaphore, #tpu.memory_space<semaphore_mem>>
        %dma_start3A_195 = arith.constant 0 : i32
        %dma_start3A_196 = arith.constant 0 : i32
        %dma_start3A_197 = tpu.memref_slice %arg18[%dma_start3A_195, %dma_start3A_196] : memref<512x16xf32, #tpu.memory_space<vmem>> -> memref<128x16xf32, #tpu.memory_space<vmem>>
        %dma_start3A_198 = arith.constant 0 : i32
        %dma_start3A_199 = tpu.memref_slice %arg15[%run_scoped3A_187, %dma_start3A_198] : memref<4x128xi32, #tpu.memory_space<vmem>> -> memref<1x128xi32, #tpu.memory_space<vmem>>
        %dma_start3A_200 = tpu.memref_squeeze %dma_start3A_199 : memref<1x128xi32, #tpu.memory_space<vmem>> -> memref<128xi32, #tpu.memory_space<vmem>>
        %dma_start3A_201 = arith.constant 0 : i32
        %dma_start3A_202 = arith.constant 0 : i32
        %dma_start3A_203 = tpu.memref_slice %arg22[%dma_start3A_201, %dma_start3A_202] : memref<10240x16xf32, #tpu.memory_space<vmem_shared>> -> memref<10240x16xf32, #tpu.memory_space<vmem_shared>>
        tpu.enqueue_indirect_dma source(%dma_start3A_197 : memref<128x16xf32, #tpu.memory_space<vmem>>) target(%dma_start3A_203 : memref<10240x16xf32, #tpu.memory_space<vmem_shared>>) offsets(%dma_start3A_200 : memref<128xi32, #tpu.memory_space<vmem>>) semaphore(%run_scoped3A_194 : memref<!tpu.dma_semaphore, #tpu.memory_space<semaphore_mem>>) {add = true}
        %dma_wait3A_204 = arith.constant 0 : i32
        %dma_wait3A_205 = arith.constant 0 : i32
        %dma_wait3A_206 = tpu.memref_slice %arg18[%dma_wait3A_204, %dma_wait3A_205] : memref<512x16xf32, #tpu.memory_space<vmem>> -> memref<128x16xf32, #tpu.memory_space<vmem>>
        %dma_wait3A_207 = arith.constant 0 : i32
        %dma_wait3A_208 = tpu.memref_slice %arg15[%run_scoped3A_187, %dma_wait3A_207] : memref<4x128xi32, #tpu.memory_space<vmem>> -> memref<1x128xi32, #tpu.memory_space<vmem>>
        %dma_wait3A_209 = tpu.memref_squeeze %dma_wait3A_208 : memref<1x128xi32, #tpu.memory_space<vmem>> -> memref<128xi32, #tpu.memory_space<vmem>>
        %dma_wait3A_210 = arith.constant 0 : i32
        %dma_wait3A_211 = arith.constant 0 : i32
        %dma_wait3A_212 = tpu.memref_slice %arg22[%dma_wait3A_210, %dma_wait3A_211] : memref<10240x16xf32, #tpu.memory_space<vmem_shared>> -> memref<10240x16xf32, #tpu.memory_space<vmem_shared>>
        tpu.wait_indirect_dma semaphore(%run_scoped3A_194 : memref<!tpu.dma_semaphore, #tpu.memory_space<semaphore_mem>>) src(%dma_wait3A_206 : memref<128x16xf32, #tpu.memory_space<vmem>>) dst(%dma_wait3A_212 : memref<10240x16xf32, #tpu.memory_space<vmem_shared>>)
        tpu.yield
      }) : () -> ()
      %run_scoped3A_188 = arith.constant 1 : i32
      "tpu.region"() ({
        %run_scoped3A_194 = tpu.sem_alloc : memref<!tpu.dma_semaphore, #tpu.memory_space<semaphore_mem>>
        %dma_start3A_195 = arith.constant 128 : i32
        %dma_start3A_196 = arith.constant 0 : i32
        %dma_start3A_197 = tpu.memref_slice %arg19[%dma_start3A_195, %dma_start3A_196] : memref<512x64xf32, #tpu.memory_space<vmem>> -> memref<128x64xf32, #tpu.memory_space<vmem>>
        %dma_start3A_198 = arith.constant 0 : i32
        %dma_start3A_199 = tpu.memref_slice %arg15[%run_scoped3A_188, %dma_start3A_198] : memref<4x128xi32, #tpu.memory_space<vmem>> -> memref<1x128xi32, #tpu.memory_space<vmem>>
        %dma_start3A_200 = tpu.memref_squeeze %dma_start3A_199 : memref<1x128xi32, #tpu.memory_space<vmem>> -> memref<128xi32, #tpu.memory_space<vmem>>
        %dma_start3A_201 = arith.constant 0 : i32
        %dma_start3A_202 = arith.constant 0 : i32
        %dma_start3A_203 = tpu.memref_slice %arg21[%dma_start3A_201, %dma_start3A_202] : memref<10240x64xf32, #tpu.memory_space<vmem_shared>> -> memref<10240x64xf32, #tpu.memory_space<vmem_shared>>
        tpu.enqueue_indirect_dma source(%dma_start3A_197 : memref<128x64xf32, #tpu.memory_space<vmem>>) target(%dma_start3A_203 : memref<10240x64xf32, #tpu.memory_space<vmem_shared>>) offsets(%dma_start3A_200 : memref<128xi32, #tpu.memory_space<vmem>>) semaphore(%run_scoped3A_194 : memref<!tpu.dma_semaphore, #tpu.memory_space<semaphore_mem>>) {add = true}
        %dma_wait3A_204 = arith.constant 128 : i32
        %dma_wait3A_205 = arith.constant 0 : i32
        %dma_wait3A_206 = tpu.memref_slice %arg19[%dma_wait3A_204, %dma_wait3A_205] : memref<512x64xf32, #tpu.memory_space<vmem>> -> memref<128x64xf32, #tpu.memory_space<vmem>>
        %dma_wait3A_207 = arith.constant 0 : i32
        %dma_wait3A_208 = tpu.memref_slice %arg15[%run_scoped3A_188, %dma_wait3A_207] : memref<4x128xi32, #tpu.memory_space<vmem>> -> memref<1x128xi32, #tpu.memory_space<vmem>>
        %dma_wait3A_209 = tpu.memref_squeeze %dma_wait3A_208 : memref<1x128xi32, #tpu.memory_space<vmem>> -> memref<128xi32, #tpu.memory_space<vmem>>
        %dma_wait3A_210 = arith.constant 0 : i32
        %dma_wait3A_211 = arith.constant 0 : i32
        %dma_wait3A_212 = tpu.memref_slice %arg21[%dma_wait3A_210, %dma_wait3A_211] : memref<10240x64xf32, #tpu.memory_space<vmem_shared>> -> memref<10240x64xf32, #tpu.memory_space<vmem_shared>>
        tpu.wait_indirect_dma semaphore(%run_scoped3A_194 : memref<!tpu.dma_semaphore, #tpu.memory_space<semaphore_mem>>) src(%dma_wait3A_206 : memref<128x64xf32, #tpu.memory_space<vmem>>) dst(%dma_wait3A_212 : memref<10240x64xf32, #tpu.memory_space<vmem_shared>>)
        tpu.yield
      }) : () -> ()
      %run_scoped3A_189 = arith.constant 1 : i32
      "tpu.region"() ({
        %run_scoped3A_194 = tpu.sem_alloc : memref<!tpu.dma_semaphore, #tpu.memory_space<semaphore_mem>>
        %dma_start3A_195 = arith.constant 128 : i32
        %dma_start3A_196 = arith.constant 0 : i32
        %dma_start3A_197 = tpu.memref_slice %arg18[%dma_start3A_195, %dma_start3A_196] : memref<512x16xf32, #tpu.memory_space<vmem>> -> memref<128x16xf32, #tpu.memory_space<vmem>>
        %dma_start3A_198 = arith.constant 0 : i32
        %dma_start3A_199 = tpu.memref_slice %arg15[%run_scoped3A_189, %dma_start3A_198] : memref<4x128xi32, #tpu.memory_space<vmem>> -> memref<1x128xi32, #tpu.memory_space<vmem>>
        %dma_start3A_200 = tpu.memref_squeeze %dma_start3A_199 : memref<1x128xi32, #tpu.memory_space<vmem>> -> memref<128xi32, #tpu.memory_space<vmem>>
        %dma_start3A_201 = arith.constant 0 : i32
        %dma_start3A_202 = arith.constant 0 : i32
        %dma_start3A_203 = tpu.memref_slice %arg22[%dma_start3A_201, %dma_start3A_202] : memref<10240x16xf32, #tpu.memory_space<vmem_shared>> -> memref<10240x16xf32, #tpu.memory_space<vmem_shared>>
        tpu.enqueue_indirect_dma source(%dma_start3A_197 : memref<128x16xf32, #tpu.memory_space<vmem>>) target(%dma_start3A_203 : memref<10240x16xf32, #tpu.memory_space<vmem_shared>>) offsets(%dma_start3A_200 : memref<128xi32, #tpu.memory_space<vmem>>) semaphore(%run_scoped3A_194 : memref<!tpu.dma_semaphore, #tpu.memory_space<semaphore_mem>>) {add = true}
        %dma_wait3A_204 = arith.constant 128 : i32
        %dma_wait3A_205 = arith.constant 0 : i32
        %dma_wait3A_206 = tpu.memref_slice %arg18[%dma_wait3A_204, %dma_wait3A_205] : memref<512x16xf32, #tpu.memory_space<vmem>> -> memref<128x16xf32, #tpu.memory_space<vmem>>
        %dma_wait3A_207 = arith.constant 0 : i32
        %dma_wait3A_208 = tpu.memref_slice %arg15[%run_scoped3A_189, %dma_wait3A_207] : memref<4x128xi32, #tpu.memory_space<vmem>> -> memref<1x128xi32, #tpu.memory_space<vmem>>
        %dma_wait3A_209 = tpu.memref_squeeze %dma_wait3A_208 : memref<1x128xi32, #tpu.memory_space<vmem>> -> memref<128xi32, #tpu.memory_space<vmem>>
        %dma_wait3A_210 = arith.constant 0 : i32
        %dma_wait3A_211 = arith.constant 0 : i32
        %dma_wait3A_212 = tpu.memref_slice %arg22[%dma_wait3A_210, %dma_wait3A_211] : memref<10240x16xf32, #tpu.memory_space<vmem_shared>> -> memref<10240x16xf32, #tpu.memory_space<vmem_shared>>
        tpu.wait_indirect_dma semaphore(%run_scoped3A_194 : memref<!tpu.dma_semaphore, #tpu.memory_space<semaphore_mem>>) src(%dma_wait3A_206 : memref<128x16xf32, #tpu.memory_space<vmem>>) dst(%dma_wait3A_212 : memref<10240x16xf32, #tpu.memory_space<vmem_shared>>)
        tpu.yield
      }) : () -> ()
      %run_scoped3A_190 = arith.constant 2 : i32
      "tpu.region"() ({
        %run_scoped3A_194 = tpu.sem_alloc : memref<!tpu.dma_semaphore, #tpu.memory_space<semaphore_mem>>
        %dma_start3A_195 = arith.constant 256 : i32
        %dma_start3A_196 = arith.constant 0 : i32
        %dma_start3A_197 = tpu.memref_slice %arg19[%dma_start3A_195, %dma_start3A_196] : memref<512x64xf32, #tpu.memory_space<vmem>> -> memref<128x64xf32, #tpu.memory_space<vmem>>
        %dma_start3A_198 = arith.constant 0 : i32
        %dma_start3A_199 = tpu.memref_slice %arg15[%run_scoped3A_190, %dma_start3A_198] : memref<4x128xi32, #tpu.memory_space<vmem>> -> memref<1x128xi32, #tpu.memory_space<vmem>>
        %dma_start3A_200 = tpu.memref_squeeze %dma_start3A_199 : memref<1x128xi32, #tpu.memory_space<vmem>> -> memref<128xi32, #tpu.memory_space<vmem>>
        %dma_start3A_201 = arith.constant 0 : i32
        %dma_start3A_202 = arith.constant 0 : i32
        %dma_start3A_203 = tpu.memref_slice %arg21[%dma_start3A_201, %dma_start3A_202] : memref<10240x64xf32, #tpu.memory_space<vmem_shared>> -> memref<10240x64xf32, #tpu.memory_space<vmem_shared>>
        tpu.enqueue_indirect_dma source(%dma_start3A_197 : memref<128x64xf32, #tpu.memory_space<vmem>>) target(%dma_start3A_203 : memref<10240x64xf32, #tpu.memory_space<vmem_shared>>) offsets(%dma_start3A_200 : memref<128xi32, #tpu.memory_space<vmem>>) semaphore(%run_scoped3A_194 : memref<!tpu.dma_semaphore, #tpu.memory_space<semaphore_mem>>) {add = true}
        %dma_wait3A_204 = arith.constant 256 : i32
        %dma_wait3A_205 = arith.constant 0 : i32
        %dma_wait3A_206 = tpu.memref_slice %arg19[%dma_wait3A_204, %dma_wait3A_205] : memref<512x64xf32, #tpu.memory_space<vmem>> -> memref<128x64xf32, #tpu.memory_space<vmem>>
        %dma_wait3A_207 = arith.constant 0 : i32
        %dma_wait3A_208 = tpu.memref_slice %arg15[%run_scoped3A_190, %dma_wait3A_207] : memref<4x128xi32, #tpu.memory_space<vmem>> -> memref<1x128xi32, #tpu.memory_space<vmem>>
        %dma_wait3A_209 = tpu.memref_squeeze %dma_wait3A_208 : memref<1x128xi32, #tpu.memory_space<vmem>> -> memref<128xi32, #tpu.memory_space<vmem>>
        %dma_wait3A_210 = arith.constant 0 : i32
        %dma_wait3A_211 = arith.constant 0 : i32
        %dma_wait3A_212 = tpu.memref_slice %arg21[%dma_wait3A_210, %dma_wait3A_211] : memref<10240x64xf32, #tpu.memory_space<vmem_shared>> -> memref<10240x64xf32, #tpu.memory_space<vmem_shared>>
        tpu.wait_indirect_dma semaphore(%run_scoped3A_194 : memref<!tpu.dma_semaphore, #tpu.memory_space<semaphore_mem>>) src(%dma_wait3A_206 : memref<128x64xf32, #tpu.memory_space<vmem>>) dst(%dma_wait3A_212 : memref<10240x64xf32, #tpu.memory_space<vmem_shared>>)
        tpu.yield
      }) : () -> ()
      %run_scoped3A_191 = arith.constant 2 : i32
      "tpu.region"() ({
        %run_scoped3A_194 = tpu.sem_alloc : memref<!tpu.dma_semaphore, #tpu.memory_space<semaphore_mem>>
        %dma_start3A_195 = arith.constant 256 : i32
        %dma_start3A_196 = arith.constant 0 : i32
        %dma_start3A_197 = tpu.memref_slice %arg18[%dma_start3A_195, %dma_start3A_196] : memref<512x16xf32, #tpu.memory_space<vmem>> -> memref<128x16xf32, #tpu.memory_space<vmem>>
        %dma_start3A_198 = arith.constant 0 : i32
        %dma_start3A_199 = tpu.memref_slice %arg15[%run_scoped3A_191, %dma_start3A_198] : memref<4x128xi32, #tpu.memory_space<vmem>> -> memref<1x128xi32, #tpu.memory_space<vmem>>
        %dma_start3A_200 = tpu.memref_squeeze %dma_start3A_199 : memref<1x128xi32, #tpu.memory_space<vmem>> -> memref<128xi32, #tpu.memory_space<vmem>>
        %dma_start3A_201 = arith.constant 0 : i32
        %dma_start3A_202 = arith.constant 0 : i32
        %dma_start3A_203 = tpu.memref_slice %arg22[%dma_start3A_201, %dma_start3A_202] : memref<10240x16xf32, #tpu.memory_space<vmem_shared>> -> memref<10240x16xf32, #tpu.memory_space<vmem_shared>>
        tpu.enqueue_indirect_dma source(%dma_start3A_197 : memref<128x16xf32, #tpu.memory_space<vmem>>) target(%dma_start3A_203 : memref<10240x16xf32, #tpu.memory_space<vmem_shared>>) offsets(%dma_start3A_200 : memref<128xi32, #tpu.memory_space<vmem>>) semaphore(%run_scoped3A_194 : memref<!tpu.dma_semaphore, #tpu.memory_space<semaphore_mem>>) {add = true}
        %dma_wait3A_204 = arith.constant 256 : i32
        %dma_wait3A_205 = arith.constant 0 : i32
        %dma_wait3A_206 = tpu.memref_slice %arg18[%dma_wait3A_204, %dma_wait3A_205] : memref<512x16xf32, #tpu.memory_space<vmem>> -> memref<128x16xf32, #tpu.memory_space<vmem>>
        %dma_wait3A_207 = arith.constant 0 : i32
        %dma_wait3A_208 = tpu.memref_slice %arg15[%run_scoped3A_191, %dma_wait3A_207] : memref<4x128xi32, #tpu.memory_space<vmem>> -> memref<1x128xi32, #tpu.memory_space<vmem>>
        %dma_wait3A_209 = tpu.memref_squeeze %dma_wait3A_208 : memref<1x128xi32, #tpu.memory_space<vmem>> -> memref<128xi32, #tpu.memory_space<vmem>>
        %dma_wait3A_210 = arith.constant 0 : i32
        %dma_wait3A_211 = arith.constant 0 : i32
        %dma_wait3A_212 = tpu.memref_slice %arg22[%dma_wait3A_210, %dma_wait3A_211] : memref<10240x16xf32, #tpu.memory_space<vmem_shared>> -> memref<10240x16xf32, #tpu.memory_space<vmem_shared>>
        tpu.wait_indirect_dma semaphore(%run_scoped3A_194 : memref<!tpu.dma_semaphore, #tpu.memory_space<semaphore_mem>>) src(%dma_wait3A_206 : memref<128x16xf32, #tpu.memory_space<vmem>>) dst(%dma_wait3A_212 : memref<10240x16xf32, #tpu.memory_space<vmem_shared>>)
        tpu.yield
      }) : () -> ()
      %run_scoped3A_192 = arith.constant 3 : i32
      "tpu.region"() ({
        %run_scoped3A_194 = tpu.sem_alloc : memref<!tpu.dma_semaphore, #tpu.memory_space<semaphore_mem>>
        %dma_start3A_195 = arith.constant 384 : i32
        %dma_start3A_196 = arith.constant 0 : i32
        %dma_start3A_197 = tpu.memref_slice %arg19[%dma_start3A_195, %dma_start3A_196] : memref<512x64xf32, #tpu.memory_space<vmem>> -> memref<128x64xf32, #tpu.memory_space<vmem>>
        %dma_start3A_198 = arith.constant 0 : i32
        %dma_start3A_199 = tpu.memref_slice %arg15[%run_scoped3A_192, %dma_start3A_198] : memref<4x128xi32, #tpu.memory_space<vmem>> -> memref<1x128xi32, #tpu.memory_space<vmem>>
        %dma_start3A_200 = tpu.memref_squeeze %dma_start3A_199 : memref<1x128xi32, #tpu.memory_space<vmem>> -> memref<128xi32, #tpu.memory_space<vmem>>
        %dma_start3A_201 = arith.constant 0 : i32
        %dma_start3A_202 = arith.constant 0 : i32
        %dma_start3A_203 = tpu.memref_slice %arg21[%dma_start3A_201, %dma_start3A_202] : memref<10240x64xf32, #tpu.memory_space<vmem_shared>> -> memref<10240x64xf32, #tpu.memory_space<vmem_shared>>
        tpu.enqueue_indirect_dma source(%dma_start3A_197 : memref<128x64xf32, #tpu.memory_space<vmem>>) target(%dma_start3A_203 : memref<10240x64xf32, #tpu.memory_space<vmem_shared>>) offsets(%dma_start3A_200 : memref<128xi32, #tpu.memory_space<vmem>>) semaphore(%run_scoped3A_194 : memref<!tpu.dma_semaphore, #tpu.memory_space<semaphore_mem>>) {add = true}
        %dma_wait3A_204 = arith.constant 384 : i32
        %dma_wait3A_205 = arith.constant 0 : i32
        %dma_wait3A_206 = tpu.memref_slice %arg19[%dma_wait3A_204, %dma_wait3A_205] : memref<512x64xf32, #tpu.memory_space<vmem>> -> memref<128x64xf32, #tpu.memory_space<vmem>>
        %dma_wait3A_207 = arith.constant 0 : i32
        %dma_wait3A_208 = tpu.memref_slice %arg15[%run_scoped3A_192, %dma_wait3A_207] : memref<4x128xi32, #tpu.memory_space<vmem>> -> memref<1x128xi32, #tpu.memory_space<vmem>>
        %dma_wait3A_209 = tpu.memref_squeeze %dma_wait3A_208 : memref<1x128xi32, #tpu.memory_space<vmem>> -> memref<128xi32, #tpu.memory_space<vmem>>
        %dma_wait3A_210 = arith.constant 0 : i32
        %dma_wait3A_211 = arith.constant 0 : i32
        %dma_wait3A_212 = tpu.memref_slice %arg21[%dma_wait3A_210, %dma_wait3A_211] : memref<10240x64xf32, #tpu.memory_space<vmem_shared>> -> memref<10240x64xf32, #tpu.memory_space<vmem_shared>>
        tpu.wait_indirect_dma semaphore(%run_scoped3A_194 : memref<!tpu.dma_semaphore, #tpu.memory_space<semaphore_mem>>) src(%dma_wait3A_206 : memref<128x64xf32, #tpu.memory_space<vmem>>) dst(%dma_wait3A_212 : memref<10240x64xf32, #tpu.memory_space<vmem_shared>>)
        tpu.yield
      }) : () -> ()
      %run_scoped3A_193 = arith.constant 3 : i32
      "tpu.region"() ({
        %run_scoped3A_194 = tpu.sem_alloc : memref<!tpu.dma_semaphore, #tpu.memory_space<semaphore_mem>>
        %dma_start3A_195 = arith.constant 384 : i32
        %dma_start3A_196 = arith.constant 0 : i32
        %dma_start3A_197 = tpu.memref_slice %arg18[%dma_start3A_195, %dma_start3A_196] : memref<512x16xf32, #tpu.memory_space<vmem>> -> memref<128x16xf32, #tpu.memory_space<vmem>>
        %dma_start3A_198 = arith.constant 0 : i32
        %dma_start3A_199 = tpu.memref_slice %arg15[%run_scoped3A_193, %dma_start3A_198] : memref<4x128xi32, #tpu.memory_space<vmem>> -> memref<1x128xi32, #tpu.memory_space<vmem>>
        %dma_start3A_200 = tpu.memref_squeeze %dma_start3A_199 : memref<1x128xi32, #tpu.memory_space<vmem>> -> memref<128xi32, #tpu.memory_space<vmem>>
        %dma_start3A_201 = arith.constant 0 : i32
        %dma_start3A_202 = arith.constant 0 : i32
        %dma_start3A_203 = tpu.memref_slice %arg22[%dma_start3A_201, %dma_start3A_202] : memref<10240x16xf32, #tpu.memory_space<vmem_shared>> -> memref<10240x16xf32, #tpu.memory_space<vmem_shared>>
        tpu.enqueue_indirect_dma source(%dma_start3A_197 : memref<128x16xf32, #tpu.memory_space<vmem>>) target(%dma_start3A_203 : memref<10240x16xf32, #tpu.memory_space<vmem_shared>>) offsets(%dma_start3A_200 : memref<128xi32, #tpu.memory_space<vmem>>) semaphore(%run_scoped3A_194 : memref<!tpu.dma_semaphore, #tpu.memory_space<semaphore_mem>>) {add = true}
        %dma_wait3A_204 = arith.constant 384 : i32
        %dma_wait3A_205 = arith.constant 0 : i32
        %dma_wait3A_206 = tpu.memref_slice %arg18[%dma_wait3A_204, %dma_wait3A_205] : memref<512x16xf32, #tpu.memory_space<vmem>> -> memref<128x16xf32, #tpu.memory_space<vmem>>
        %dma_wait3A_207 = arith.constant 0 : i32
        %dma_wait3A_208 = tpu.memref_slice %arg15[%run_scoped3A_193, %dma_wait3A_207] : memref<4x128xi32, #tpu.memory_space<vmem>> -> memref<1x128xi32, #tpu.memory_space<vmem>>
        %dma_wait3A_209 = tpu.memref_squeeze %dma_wait3A_208 : memref<1x128xi32, #tpu.memory_space<vmem>> -> memref<128xi32, #tpu.memory_space<vmem>>
        %dma_wait3A_210 = arith.constant 0 : i32
        %dma_wait3A_211 = arith.constant 0 : i32
        %dma_wait3A_212 = tpu.memref_slice %arg22[%dma_wait3A_210, %dma_wait3A_211] : memref<10240x16xf32, #tpu.memory_space<vmem_shared>> -> memref<10240x16xf32, #tpu.memory_space<vmem_shared>>
        tpu.wait_indirect_dma semaphore(%run_scoped3A_194 : memref<!tpu.dma_semaphore, #tpu.memory_space<semaphore_mem>>) src(%dma_wait3A_206 : memref<128x16xf32, #tpu.memory_space<vmem>>) dst(%dma_wait3A_212 : memref<10240x16xf32, #tpu.memory_space<vmem_shared>>)
        tpu.yield
      }) : () -> ()
    }
    %scan3A_5 = arith.constant 41 : i32
    %barrier3A_6 = arith.constant 0 : index
    tpu.barrier barrier_id(%barrier3A_6)
    %eq3A = arith.constant 0 : i32
    %eq3A_7 = arith.cmpi eq, %arg0, %eq3A : i32
    %convert_element_type3A = arith.extui %eq3A_7 : i1 to i32
    %cond3A = arith.constant 0 : i32
    %cond3A_8 = arith.cmpi ne, %convert_element_type3A, %cond3A : i32
    scf.if %cond3A_8 {
      "tpu.region"() ({
        %run_scoped3A = tpu.sem_alloc : memref<!tpu.dma_semaphore, #tpu.memory_space<semaphore_mem>>
        %dma_start3A = arith.constant 0 : i32
        %dma_start3A_14 = tpu.memref_slice %arg10[%mul3A_0, %dma_start3A] : memref<10240x64xf32, #tpu.memory_space<hbm>> -> memref<640x64xf32, #tpu.memory_space<hbm>>
        %dma_start3A_15 = arith.constant 0 : i32
        %dma_start3A_16 = tpu.memref_slice %arg21[%mul3A_0, %dma_start3A_15] : memref<10240x64xf32, #tpu.memory_space<vmem_shared>> -> memref<640x64xf32, #tpu.memory_space<vmem_shared>>
        tpu.enqueue_dma source(%dma_start3A_16 : memref<640x64xf32, #tpu.memory_space<vmem_shared>>) target(%dma_start3A_14 : memref<640x64xf32, #tpu.memory_space<hbm>>) target_semaphore(%run_scoped3A : memref<!tpu.dma_semaphore, #tpu.memory_space<semaphore_mem>>)
        %dma_wait3A = arith.constant 0 : i32
        %dma_wait3A_17 = tpu.memref_slice %arg10[%mul3A_0, %dma_wait3A] : memref<10240x64xf32, #tpu.memory_space<hbm>> -> memref<640x64xf32, #tpu.memory_space<hbm>>
        %dma_wait3A_18 = arith.constant 0 : i32
        %dma_wait3A_19 = tpu.memref_slice %arg21[%mul3A_0, %dma_wait3A_18] : memref<10240x64xf32, #tpu.memory_space<vmem_shared>> -> memref<640x64xf32, #tpu.memory_space<vmem_shared>>
        tpu.wait_dma2 semaphore(%run_scoped3A : memref<!tpu.dma_semaphore, #tpu.memory_space<semaphore_mem>>) src(%dma_wait3A_19 : memref<640x64xf32, #tpu.memory_space<vmem_shared>>) dst(%dma_wait3A_17 : memref<640x64xf32, #tpu.memory_space<hbm>>)
        tpu.yield
      }) : () -> ()
      "tpu.region"() ({
        %run_scoped3A = tpu.sem_alloc : memref<!tpu.dma_semaphore, #tpu.memory_space<semaphore_mem>>
        %dma_start3A = arith.constant 0 : i32
        %dma_start3A_14 = tpu.memref_slice %arg12[%mul3A_0, %dma_start3A] : memref<10240x16xf32, #tpu.memory_space<hbm>> -> memref<640x16xf32, #tpu.memory_space<hbm>>
        %dma_start3A_15 = arith.constant 0 : i32
        %dma_start3A_16 = tpu.memref_slice %arg22[%mul3A_0, %dma_start3A_15] : memref<10240x16xf32, #tpu.memory_space<vmem_shared>> -> memref<640x16xf32, #tpu.memory_space<vmem_shared>>
        tpu.enqueue_dma source(%dma_start3A_16 : memref<640x16xf32, #tpu.memory_space<vmem_shared>>) target(%dma_start3A_14 : memref<640x16xf32, #tpu.memory_space<hbm>>) target_semaphore(%run_scoped3A : memref<!tpu.dma_semaphore, #tpu.memory_space<semaphore_mem>>)
        %dma_wait3A = arith.constant 0 : i32
        %dma_wait3A_17 = tpu.memref_slice %arg12[%mul3A_0, %dma_wait3A] : memref<10240x16xf32, #tpu.memory_space<hbm>> -> memref<640x16xf32, #tpu.memory_space<hbm>>
        %dma_wait3A_18 = arith.constant 0 : i32
        %dma_wait3A_19 = tpu.memref_slice %arg22[%mul3A_0, %dma_wait3A_18] : memref<10240x16xf32, #tpu.memory_space<vmem_shared>> -> memref<640x16xf32, #tpu.memory_space<vmem_shared>>
        tpu.wait_dma2 semaphore(%run_scoped3A : memref<!tpu.dma_semaphore, #tpu.memory_space<semaphore_mem>>) src(%dma_wait3A_19 : memref<640x16xf32, #tpu.memory_space<vmem_shared>>) dst(%dma_wait3A_17 : memref<640x16xf32, #tpu.memory_space<hbm>>)
        tpu.yield
      }) : () -> ()
    } else {
    }
    %eq3A_9 = arith.constant 1 : i32
    %eq3A_10 = arith.cmpi eq, %arg0, %eq3A_9 : i32
    %convert_element_type3A_11 = arith.extui %eq3A_10 : i1 to i32
    %cond3A_12 = arith.constant 0 : i32
    %cond3A_13 = arith.cmpi ne, %convert_element_type3A_11, %cond3A_12 : i32
    scf.if %cond3A_13 {
      "tpu.region"() ({
        %run_scoped3A = tpu.sem_alloc : memref<!tpu.dma_semaphore, #tpu.memory_space<semaphore_mem>>
        %dma_start3A = arith.constant 0 : i32
        %dma_start3A_14 = tpu.memref_slice %arg11[%mul3A_0, %dma_start3A] : memref<10240x64xf32, #tpu.memory_space<hbm>> -> memref<640x64xf32, #tpu.memory_space<hbm>>
        %dma_start3A_15 = arith.constant 0 : i32
        %dma_start3A_16 = tpu.memref_slice %arg21[%mul3A_0, %dma_start3A_15] : memref<10240x64xf32, #tpu.memory_space<vmem_shared>> -> memref<640x64xf32, #tpu.memory_space<vmem_shared>>
        tpu.enqueue_dma source(%dma_start3A_16 : memref<640x64xf32, #tpu.memory_space<vmem_shared>>) target(%dma_start3A_14 : memref<640x64xf32, #tpu.memory_space<hbm>>) target_semaphore(%run_scoped3A : memref<!tpu.dma_semaphore, #tpu.memory_space<semaphore_mem>>)
        %dma_wait3A = arith.constant 0 : i32
        %dma_wait3A_17 = tpu.memref_slice %arg11[%mul3A_0, %dma_wait3A] : memref<10240x64xf32, #tpu.memory_space<hbm>> -> memref<640x64xf32, #tpu.memory_space<hbm>>
        %dma_wait3A_18 = arith.constant 0 : i32
        %dma_wait3A_19 = tpu.memref_slice %arg21[%mul3A_0, %dma_wait3A_18] : memref<10240x64xf32, #tpu.memory_space<vmem_shared>> -> memref<640x64xf32, #tpu.memory_space<vmem_shared>>
        tpu.wait_dma2 semaphore(%run_scoped3A : memref<!tpu.dma_semaphore, #tpu.memory_space<semaphore_mem>>) src(%dma_wait3A_19 : memref<640x64xf32, #tpu.memory_space<vmem_shared>>) dst(%dma_wait3A_17 : memref<640x64xf32, #tpu.memory_space<hbm>>)
        tpu.yield
      }) : () -> ()
      "tpu.region"() ({
        %run_scoped3A = tpu.sem_alloc : memref<!tpu.dma_semaphore, #tpu.memory_space<semaphore_mem>>
        %dma_start3A = arith.constant 0 : i32
        %dma_start3A_14 = tpu.memref_slice %arg13[%mul3A_0, %dma_start3A] : memref<10240x16xf32, #tpu.memory_space<hbm>> -> memref<640x16xf32, #tpu.memory_space<hbm>>
        %dma_start3A_15 = arith.constant 0 : i32
        %dma_start3A_16 = tpu.memref_slice %arg22[%mul3A_0, %dma_start3A_15] : memref<10240x16xf32, #tpu.memory_space<vmem_shared>> -> memref<640x16xf32, #tpu.memory_space<vmem_shared>>
        tpu.enqueue_dma source(%dma_start3A_16 : memref<640x16xf32, #tpu.memory_space<vmem_shared>>) target(%dma_start3A_14 : memref<640x16xf32, #tpu.memory_space<hbm>>) target_semaphore(%run_scoped3A : memref<!tpu.dma_semaphore, #tpu.memory_space<semaphore_mem>>)
        %dma_wait3A = arith.constant 0 : i32
        %dma_wait3A_17 = tpu.memref_slice %arg13[%mul3A_0, %dma_wait3A] : memref<10240x16xf32, #tpu.memory_space<hbm>> -> memref<640x16xf32, #tpu.memory_space<hbm>>
        %dma_wait3A_18 = arith.constant 0 : i32
        %dma_wait3A_19 = tpu.memref_slice %arg22[%mul3A_0, %dma_wait3A_18] : memref<10240x16xf32, #tpu.memory_space<vmem_shared>> -> memref<640x16xf32, #tpu.memory_space<vmem_shared>>
        tpu.wait_dma2 semaphore(%run_scoped3A : memref<!tpu.dma_semaphore, #tpu.memory_space<semaphore_mem>>) src(%dma_wait3A_19 : memref<640x16xf32, #tpu.memory_space<vmem_shared>>) dst(%dma_wait3A_17 : memref<640x16xf32, #tpu.memory_space<hbm>>)
        tpu.yield
      }) : () -> ()
    } else {
    }
    return
  }
}

module attributes {stable_mosaic.version = 14 : i64} {
  func.func @_prep_body(%arg0: i32, %arg1: memref<1024x128xf32, #tpu.memory_space<vmem>>, %arg2: memref<128x128xf32, #tpu.memory_space<vmem>>, %arg3: memref<128x16xf32, #tpu.memory_space<vmem>>, %arg4: memref<128x16xf32, #tpu.memory_space<vmem>>, %arg5: memref<1024x64xf32, #tpu.memory_space<vmem>>, %arg6: memref<1024x64xf32, #tpu.memory_space<vmem>>, %arg7: memref<1024x16xf32, #tpu.memory_space<vmem>>, %arg8: memref<1024x16xf32, #tpu.memory_space<vmem>>) attributes {dimension_semantics = [#tpu.dimension_semantics<arbitrary>], iteration_bounds = array<i64: 10>, scalar_prefetch = 0 : i64, scratch_operands = 0 : i64, tpu.core_type = #tpu.core_type<tc>, window_params = [{transform_indices = @transform_0, window_bounds = array<i64: 1024, 128>}, {pipeline_mode = #tpu.pipeline_mode<synchronous>, transform_indices = @transform_1, window_bounds = array<i64: 128, 128>}, {pipeline_mode = #tpu.pipeline_mode<synchronous>, transform_indices = @transform_2, window_bounds = array<i64: 128, 16>}, {pipeline_mode = #tpu.pipeline_mode<synchronous>, transform_indices = @transform_3, window_bounds = array<i64: 128, 16>}, {transform_indices = @transform_4, window_bounds = array<i64: 1024, 64>}, {transform_indices = @transform_5, window_bounds = array<i64: 1024, 64>}, {transform_indices = @transform_6, window_bounds = array<i64: 1024, 16>}, {transform_indices = @transform_7, window_bounds = array<i64: 1024, 16>}]} {
    %get3A = arith.constant 0 : index
    %get3A_0 = arith.constant 0 : index
    %get3A_1 = vector.load %arg1[%get3A, %get3A_0] : memref<1024x128xf32, #tpu.memory_space<vmem>>, vector<1024x128xf32>
    %get3A_2 = arith.constant 0 : index
    %get3A_3 = arith.constant 0 : index
    %get3A_4 = vector.load %arg2[%get3A_2, %get3A_3] : memref<128x128xf32, #tpu.memory_space<vmem>>, vector<128x128xf32>
    %dot_general3A = arith.constant dense<0.000000e+00> : vector<1024x128xf32>
    %dot_general3A_5 = tpu.matmul %get3A_1, %get3A_4, %dot_general3A {dimension_numbers = #tpu.dot_dimension_numbers<[1], [0], [0], [1], [0, 0, 1, 1], [], []>, transpose_lhs_hint = false} : vector<1024x128xf32>, vector<128x128xf32>, vector<1024x128xf32> -> vector<1024x128xf32>
    %slice3A = vector.extract_strided_slice %dot_general3A_5 {offsets = [0, 0], sizes = [1024, 64], strides = [1, 1]} : vector<1024x128xf32> to vector<1024x64xf32>
    %swap3A = arith.constant 0 : index
    %swap3A_6 = arith.constant 0 : index
    %swap3A_7 = vector.load %arg5[%swap3A, %swap3A_6] : memref<1024x64xf32, #tpu.memory_space<vmem>>, vector<1024x64xf32>
    tpu.vector_store %arg5[%swap3A, %swap3A_6], %slice3A {strides = array<i32>} : memref<1024x64xf32, #tpu.memory_space<vmem>>, vector<1024x64xf32>,
    %slice3A_8 = vector.extract_strided_slice %dot_general3A_5 {offsets = [0, 64], sizes = [1024, 64], strides = [1, 1]} : vector<1024x128xf32> to vector<1024x64xf32>
    %swap3A_9 = arith.constant 0 : index
    %swap3A_10 = arith.constant 0 : index
    %swap3A_11 = vector.load %arg6[%swap3A_9, %swap3A_10] : memref<1024x64xf32, #tpu.memory_space<vmem>>, vector<1024x64xf32>
    tpu.vector_store %arg6[%swap3A_9, %swap3A_10], %slice3A_8 {strides = array<i32>} : memref<1024x64xf32, #tpu.memory_space<vmem>>, vector<1024x64xf32>,
    %get3A_12 = arith.constant 0 : index
    %get3A_13 = arith.constant 0 : index
    %get3A_14 = vector.load %arg3[%get3A_12, %get3A_13] : memref<128x16xf32, #tpu.memory_space<vmem>>, vector<128x16xf32>
    %dot_general3A_15 = arith.constant dense<0.000000e+00> : vector<1024x16xf32>
    %dot_general3A_16 = tpu.matmul %dot_general3A_5, %get3A_14, %dot_general3A_15 {dimension_numbers = #tpu.dot_dimension_numbers<[1], [0], [0], [1], [0, 0, 1, 1], [], []>, transpose_lhs_hint = false} : vector<1024x128xf32>, vector<128x16xf32>, vector<1024x16xf32> -> vector<1024x16xf32>
    %swap3A_17 = arith.constant 0 : index
    %swap3A_18 = arith.constant 0 : index
    %swap3A_19 = vector.load %arg7[%swap3A_17, %swap3A_18] : memref<1024x16xf32, #tpu.memory_space<vmem>>, vector<1024x16xf32>
    tpu.vector_store %arg7[%swap3A_17, %swap3A_18], %dot_general3A_16 {strides = array<i32>} : memref<1024x16xf32, #tpu.memory_space<vmem>>, vector<1024x16xf32>,
    %get3A_20 = arith.constant 0 : index
    %get3A_21 = arith.constant 0 : index
    %get3A_22 = vector.load %arg4[%get3A_20, %get3A_21] : memref<128x16xf32, #tpu.memory_space<vmem>>, vector<128x16xf32>
    %dot_general3A_23 = arith.constant dense<0.000000e+00> : vector<1024x16xf32>
    %dot_general3A_24 = tpu.matmul %dot_general3A_5, %get3A_22, %dot_general3A_23 {dimension_numbers = #tpu.dot_dimension_numbers<[1], [0], [0], [1], [0, 0, 1, 1], [], []>, transpose_lhs_hint = false} : vector<1024x128xf32>, vector<128x16xf32>, vector<1024x16xf32> -> vector<1024x16xf32>
    %swap3A_25 = arith.constant 0 : index
    %swap3A_26 = arith.constant 0 : index
    %swap3A_27 = vector.load %arg8[%swap3A_25, %swap3A_26] : memref<1024x16xf32, #tpu.memory_space<vmem>>, vector<1024x16xf32>
    tpu.vector_store %arg8[%swap3A_25, %swap3A_26], %dot_general3A_24 {strides = array<i32>} : memref<1024x16xf32, #tpu.memory_space<vmem>>, vector<1024x16xf32>,
    return
  }
  func.func @transform_0(%arg0: i32) -> (i32, i32) {
    %c0_i32 = arith.constant 0 : i32
    %c0_i32_0 = arith.constant 0 : i32
    return %arg0, %c0_i32 : i32, i32
  }
  func.func @transform_1(%arg0: i32) -> (i32, i32) {
    %c0_i32 = arith.constant 0 : i32
    %c0_i32_0 = arith.constant 0 : i32
    %c0_i32_1 = arith.constant 0 : i32
    return %c0_i32, %c0_i32_0 : i32, i32
  }
  func.func @transform_2(%arg0: i32) -> (i32, i32) {
    %c0_i32 = arith.constant 0 : i32
    %c0_i32_0 = arith.constant 0 : i32
    %c0_i32_1 = arith.constant 0 : i32
    return %c0_i32, %c0_i32_0 : i32, i32
  }
  func.func @transform_3(%arg0: i32) -> (i32, i32) {
    %c0_i32 = arith.constant 0 : i32
    %c0_i32_0 = arith.constant 0 : i32
    %c0_i32_1 = arith.constant 0 : i32
    return %c0_i32, %c0_i32_0 : i32, i32
  }
  func.func @transform_4(%arg0: i32) -> (i32, i32) {
    %c0_i32 = arith.constant 0 : i32
    %c0_i32_0 = arith.constant 0 : i32
    return %arg0, %c0_i32 : i32, i32
  }
  func.func @transform_5(%arg0: i32) -> (i32, i32) {
    %c0_i32 = arith.constant 0 : i32
    %c0_i32_0 = arith.constant 0 : i32
    return %arg0, %c0_i32 : i32, i32
  }
  func.func @transform_6(%arg0: i32) -> (i32, i32) {
    %c0_i32 = arith.constant 0 : i32
    %c0_i32_0 = arith.constant 0 : i32
    return %arg0, %c0_i32 : i32, i32
  }
  func.func @transform_7(%arg0: i32) -> (i32, i32) {
    %c0_i32 = arith.constant 0 : i32
    %c0_i32_0 = arith.constant 0 : i32
    return %arg0, %c0_i32 : i32, i32
  }
}

module attributes {stable_mosaic.version = 14 : i64} {
  func.func @_fin_body(%arg0: i32, %arg1: memref<1024x64xf32, #tpu.memory_space<vmem>>, %arg2: memref<1024x64xf32, #tpu.memory_space<vmem>>, %arg3: memref<1024x16xf32, #tpu.memory_space<vmem>>, %arg4: memref<16x128xf32, #tpu.memory_space<vmem>>, %arg5: memref<1x128xf32, #tpu.memory_space<vmem>>, %arg6: memref<1024x128xf32, #tpu.memory_space<vmem>>) attributes {dimension_semantics = [#tpu.dimension_semantics<arbitrary>], iteration_bounds = array<i64: 10>, scalar_prefetch = 0 : i64, scratch_operands = 0 : i64, tpu.core_type = #tpu.core_type<tc>, window_params = [{transform_indices = @transform_0, window_bounds = array<i64: 1024, 64>}, {transform_indices = @transform_1, window_bounds = array<i64: 1024, 64>}, {transform_indices = @transform_2, window_bounds = array<i64: 1024, 16>}, {pipeline_mode = #tpu.pipeline_mode<synchronous>, transform_indices = @transform_3, window_bounds = array<i64: 16, 128>}, {pipeline_mode = #tpu.pipeline_mode<synchronous>, transform_indices = @transform_4, window_bounds = array<i64: 1, 128>}, {transform_indices = @transform_5, window_bounds = array<i64: 1024, 128>}]} {
    %get3A = arith.constant 0 : index
    %get3A_0 = arith.constant 0 : index
    %get3A_1 = vector.load %arg3[%get3A, %get3A_0] : memref<1024x16xf32, #tpu.memory_space<vmem>>, vector<1024x16xf32>
    %get3A_2 = arith.constant 0 : index
    %get3A_3 = arith.constant 0 : index
    %get3A_4 = vector.load %arg4[%get3A_2, %get3A_3] : memref<16x128xf32, #tpu.memory_space<vmem>>, vector<16x128xf32>
    %dot_general3A = arith.constant dense<0.000000e+00> : vector<1024x128xf32>
    %dot_general3A_5 = tpu.matmul %get3A_1, %get3A_4, %dot_general3A {dimension_numbers = #tpu.dot_dimension_numbers<[1], [0], [0], [1], [0, 0, 1, 1], [], []>, transpose_lhs_hint = false} : vector<1024x16xf32>, vector<16x128xf32>, vector<1024x128xf32> -> vector<1024x128xf32>
    %get3A_6 = arith.constant 0 : index
    %get3A_7 = arith.constant 0 : index
    %get3A_8 = vector.load %arg1[%get3A_6, %get3A_7] : memref<1024x64xf32, #tpu.memory_space<vmem>>, vector<1024x64xf32>
    %get3A_9 = arith.constant 0 : index
    %get3A_10 = arith.constant 0 : index
    %get3A_11 = vector.load %arg2[%get3A_9, %get3A_10] : memref<1024x64xf32, #tpu.memory_space<vmem>>, vector<1024x64xf32>
    %concatenate3A = tpu.concatenate %get3A_8, %get3A_11 in 1 : vector<1024x64xf32>, vector<1024x64xf32> -> vector<1024x128xf32>
    %add3A = arith.constant 1.000000e-16 : f32
    %add3A_12 = vector.broadcast %add3A : f32 to vector<1024x128xf32>
    %add3A_13 = arith.addf %dot_general3A_5, %add3A_12 : vector<1024x128xf32>
    %div3A = arith.divf %concatenate3A, %add3A_13 : vector<1024x128xf32>
    %get3A_14 = arith.constant 0 : index
    %get3A_15 = arith.constant 0 : index
    %get3A_16 = vector.load %arg5[%get3A_14, %get3A_15] : memref<1x128xf32, #tpu.memory_space<vmem>>, vector<1x128xf32>
    %add3A_17 = vector.broadcast %get3A_16 : vector<1x128xf32> to vector<1024x128xf32>
    %add3A_18 = arith.addf %div3A, %add3A_17 : vector<1024x128xf32>
    %max3A = arith.constant 0.000000e+00 : f32
    %max3A_19 = vector.broadcast %max3A : f32 to vector<1024x128xf32>
    %max3A_20 = arith.maximumf %add3A_18, %max3A_19 : vector<1024x128xf32>
    %swap3A = arith.constant 0 : index
    %swap3A_21 = arith.constant 0 : index
    %swap3A_22 = vector.load %arg6[%swap3A, %swap3A_21] : memref<1024x128xf32, #tpu.memory_space<vmem>>, vector<1024x128xf32>
    tpu.vector_store %arg6[%swap3A, %swap3A_21], %max3A_20 {strides = array<i32>} : memref<1024x128xf32, #tpu.memory_space<vmem>>, vector<1024x128xf32>,
    return
  }
  func.func @transform_0(%arg0: i32) -> (i32, i32) {
    %c0_i32 = arith.constant 0 : i32
    %c0_i32_0 = arith.constant 0 : i32
    return %arg0, %c0_i32 : i32, i32
  }
  func.func @transform_1(%arg0: i32) -> (i32, i32) {
    %c0_i32 = arith.constant 0 : i32
    %c0_i32_0 = arith.constant 0 : i32
    return %arg0, %c0_i32 : i32, i32
  }
  func.func @transform_2(%arg0: i32) -> (i32, i32) {
    %c0_i32 = arith.constant 0 : i32
    %c0_i32_0 = arith.constant 0 : i32
    return %arg0, %c0_i32 : i32, i32
  }
  func.func @transform_3(%arg0: i32) -> (i32, i32) {
    %c0_i32 = arith.constant 0 : i32
    %c0_i32_0 = arith.constant 0 : i32
    %c0_i32_1 = arith.constant 0 : i32
    return %c0_i32, %c0_i32_0 : i32, i32
  }
  func.func @transform_4(%arg0: i32) -> (i32, i32) {
    %c0_i32 = arith.constant 0 : i32
    %c0_i32_0 = arith.constant 0 : i32
    %c0_i32_1 = arith.constant 0 : i32
    return %c0_i32, %c0_i32_0 : i32, i32
  }
  func.func @transform_5(%arg0: i32) -> (i32, i32) {
    %c0_i32 = arith.constant 0 : i32
    %c0_i32_0 = arith.constant 0 : i32
    return %arg0, %c0_i32 : i32, i32
  }
}

</mosaic_0001>

<sc_bundles>
// kernel: kernel.5.cloned.1.call-start
scs
__scs_entry_jumppad:
0x0: {  	(pc) =	sbr.rel $0x88, $3  }
0x1: {  	(tag) =	ssettag $0x0;
	lr =	simm.s32 $0x1  }
0x2: {  	[smem:$0x3F9B] =	sst lr;
	_ =	strace $0xD0000000  }
0x3: {  	_ = 	snop  }
0x4: {  	_ = 	snop  }
0x5: {  	_ = 	snop  }
0x6: {  	_ = 	snop  }
0x7: {  	_ = 	snop  }
__scs_overlays_trampoline_lowered:
0x8: {  	[smem:$0x3FAA] =	sst s0  }
0x9: {  	[smem:$0x3FAB] =	sst s1  }
0xa: {  	[smem:$0x3FAC] =	sst s2  }
0xb: {  	[smem:$0x3FAD] =	sst s3  }
0xc: {  	[smem:$0x3FAE] =	sst s4  }
0xd: {  	[smem:$0x3FAF] =	sst s5  }
0xe: {  	[smem:$0x3FB0] =	sst s6  }
0xf: {  	[smem:$0x3FB1] =	sst s7  }
0x10: {  	[smem:$0x3FB2] =	sst s8  }
0x11: {  	[smem:$0x3FB3] =	sst s9;
	s0 =	simm.s32 @!p0 $0x0  }
0x12: {  	s1 =	sld [smem:$0x3F99];
	s0 =	simm.s32 @p0 $0x1  }
0x13: {  	[smem:$0x3FB4] =	sst s0;
	s0 =	simm.s32 @!p1 $0x0  }
0x14: {  	s2 =	sld [smem:$0x3F98];
	s0 =	simm.s32 @p1 $0x1  }
0x15: {  	[smem:$0x3FB5] =	sst s0;
	s0 =	simm.s32 @!p2 $0x0  }
0x16: {  	s3 =	sld [smem:$0x3FDB];
	s0 =	simm.s32 @p2 $0x1  }
0x17: {  	s4 =	simm.s32 $0x1BF5;
	[smem:$0x3FB7] =	sst s0  }
0x18: {  	s0 =	sld [smem:$0x3F9A];
	_ =	swait.ge [sflag:s4], $0x0  }
0x19: {  	s7 =	sld [smem:$0x3F9B]  }
0x1a: {  	s8 =	sadd.s32 $0xFFFFE003, lr  }
0x1b: {  	s9 =	sadd.s32 $0xFFFFFEF7, lr;
	s5 =	simm.s32 $0xFFFFFFFF;
	p2 =	slt.u32 s8, $0xFFFFF086  }
0x1c: {  	p1 =	slt.u32 s9, $0xF7A;
	s5 =	simm.s32 @!p2 $0x0  }
0x1d: {  	s5 =	simm.s32 @p1 $0x1;
	p0 =	seq.s32 s7, s2  }
0x1e: {  	s7 =	smul.u32 @!p0 $0xF7A, s2;
	p2 =	seq.s32 @!p0 s5, $0x0  }
0x1f: {  	s9 =	smul.u32 $0xF7A, s1;
	s8 =	simm.s32 @!p0 $0x1BF5;
	p2 =	por !p2, p0  }
0x20: {  	[sflag:s8] =	ssyncset.s32 @!p0 $0xFFFFF086;
	s6 =	sadd.s32 @!p0 s3, s7;
	s7 =	simm.s32 @!p0 $0x108  }
0x21: {  	s3 =	sadd.s32 s3, s9;
	s6 =	sadd.s32 @!p0 $0x88, s6;
	s7 =	simm.s32 @p2 $0x1082  }
0x22: {  	[simem:s7], [sflag:s8] =	dma.local @!p0 [hbm:s6], $0xF7A  }
0x23: {  	s9 =	sor.u32 $0xD0000000, s2;
	s6 =	simm.s32 $0x108;
	_ =	swait.ge @!p0 [sflag:s8], $0x0  }
0x24: {  	s3 =	sadd.s32 $0x88, s3;
	s6 =	simm.s32 @!p1 $0x1082;
	[sflag:s4] =	ssyncset.s32 $0xFFFFF086  }
0x25: {  	[simem:s6], [sflag:s4] =	dma.local [hbm:s3], $0xF7A  }
0x26: {  	[smem:$0x3F9B] =	sst s1;
	(tag) =	ssettag s2;
	_ =	strace s9  }
0x27: {  	s1 =	sld [smem:$0x3FAB]  }
0x28: {  	s2 =	sld [smem:$0x3FAC]  }
0x29: {  	s4 =	sld [smem:$0x3FAE]  }
0x2a: {  	p0 =	seq.s32 s5, $0x0;
	s5 =	sld [smem:$0x3FAF]  }
0x2b: {  	s6 =	sld [smem:$0x3FB0]  }
0x2c: {  	s7 =	sld [smem:$0x3FB1]  }
0x2d: {  	s3 =	simm.s32 $0x108;
	s8 =	sld [smem:$0x3FB2]  }
0x2e: {  	s3 =	simm.s32 @!p0 $0x1082;
	s9 =	sld [smem:$0x3FB3]  }
0x2f: {  	lr =	sadd.s32 s0, s3;
	s0 =	sld [smem:$0x3FAA]  }
0x30: {  	s3 =	sld [smem:$0x3FAD]  }
0x31: {  	[smem:$0x3FB6] =	sst s10  }
0x32: {  	s10 =	sld [smem:$0x3FB4];
	_ =	sdelay $0x3  }
0x33: {  	p0 =	seq.s32 s10, $0x1;
	s10 =	sld [smem:$0x3FB6];
	_ =	sdelay $0x3  }
0x34: {  	[smem:$0x3FB6] =	sst s10  }
0x35: {  	s10 =	sld [smem:$0x3FB5];
	_ =	sdelay $0x3  }
0x36: {  	p1 =	seq.s32 s10, $0x1;
	s10 =	sld [smem:$0x3FB6];
	_ =	sdelay $0x3  }
0x37: {  	[smem:$0x3FB6] =	sst s10  }
0x38: {  	s10 =	sld [smem:$0x3FB7]  }
0x39: {  	_ = 	snop;
	(pc) =	sbr.ind lr, $3  }
0x3a: {  	_ = 	snop  }
0x3b: {  	_ = 	snop  }
0x3c: {  	p2 =	seq.s32 s10, $0x1;
	s10 =	sld [smem:$0x3FB6]  }
0x3d: {  	_ =	shalt  }
0x3e: {  	_ =	shalt  }
0x3f: {  	_ =	shalt  }
0x40: {  	_ =	shalt  }
0x41: {  	_ =	shalt  }
0x42: {  	_ =	shalt  }
0x43: {  	_ =	shalt  }
0x44: {  	_ =	shalt  }
0x45: {  	_ =	shalt  }
0x46: {  	_ =	shalt  }
0x47: {  	_ =	shalt  }
0x48: {  	_ =	shalt  }
0x49: {  	_ =	shalt  }
0x4a: {  	_ =	shalt  }
0x4b: {  	_ =	shalt  }
0x4c: {  	_ =	shalt  }
0x4d: {  	_ =	shalt  }
0x4e: {  	_ =	shalt  }
0x4f: {  	_ =	shalt  }
0x50: {  	_ =	shalt  }
0x51: {  	_ =	shalt  }
0x52: {  	_ =	shalt  }
0x53: {  	_ =	shalt  }
0x54: {  	_ =	shalt  }
0x55: {  	_ =	shalt  }
0x56: {  	_ =	shalt  }
0x57: {  	_ =	shalt  }
0x58: {  	_ =	shalt  }
0x59: {  	_ =	shalt  }
0x5a: {  	_ =	shalt  }
0x5b: {  	_ =	shalt  }
0x5c: {  	_ =	shalt  }
0x5d: {  	_ =	shalt  }
0x5e: {  	_ =	shalt  }
0x5f: {  	_ =	shalt  }
0x60: {  	_ =	shalt  }
0x61: {  	_ =	shalt  }
0x62: {  	_ =	shalt  }
0x63: {  	_ =	shalt  }
0x64: {  	_ =	shalt  }
0x65: {  	_ =	shalt  }
0x66: {  	_ =	shalt  }
0x67: {  	_ =	shalt  }
0x68: {  	_ =	shalt  }
0x69: {  	_ =	shalt  }
0x6a: {  	_ =	shalt  }
0x6b: {  	_ =	shalt  }
0x6c: {  	_ =	shalt  }
0x6d: {  	_ =	shalt  }
0x6e: {  	_ =	shalt  }
0x6f: {  	_ =	shalt  }
0x70: {  	_ =	shalt  }
0x71: {  	_ =	shalt  }
0x72: {  	_ =	shalt  }
0x73: {  	_ =	shalt  }
0x74: {  	_ =	shalt  }
0x75: {  	_ =	shalt  }
0x76: {  	_ =	shalt  }
0x77: {  	_ =	shalt  }
0x78: {  	_ =	shalt  }
0x79: {  	_ =	shalt  }
0x7a: {  	_ =	shalt  }
0x7b: {  	_ =	shalt  }
0x7c: {  	_ =	shalt  }
0x7d: {  	_ =	shalt  }
0x7e: {  	_ =	shalt  }
0x7f: {  	_ =	shalt  }
0x80: {  	_ =	shalt  }
0x81: {  	_ =	shalt  }
0x82: {  	_ =	shalt  }
0x83: {  	_ =	shalt  }
0x84: {  	_ =	shalt  }
0x85: {  	_ =	shalt  }
0x86: {  	_ =	shalt  }
0x87: {  	_ =	shalt  }
.Lfunc_end0:
.L_simem_size_0:
called_computation_lowered:
.L_overlay_start_0:
0x88: {  	s2 =	sld [smem:$0x3FD9]  }
0x89: {  	s3 =	sld [smem:$0x3FFE];
	_ =	sdelay $0x1  }
0x8a: {  	s1 =	srdreg.scid  }
0x8b: {  	s0 =	sand.u32 $0x1, s1  }
0x8c: {  	s17 =	sshll.u32 s0, $0xA;
	s2 =	sadd.s32 s3, s2  }
0x8d: {  	s2 =	sadd.s32 s2, s17  }
0x8e: {  	[smem:$0x3FC2] =	sst s2  }
0x8f: {  	_ = 	snop  }
0x90: {  	s2 =	sld [smem:$0x3FD0];
	(tm) =	ssettm $0x1  }
0x91: {  	s18 =	sld [smem:$0x3FFB];
	_ =	sdelay $0x3  }
0x92: {  	_ =	strace s18  }
0x93: {  	s3 =	sld [smem:$0x3FFC];
	_ =	sdelay $0x3  }
0x94: {  	_ =	strace s3  }
0x95: {  	s3 =	sld [smem:$0x3FFD];
	_ =	sdelay $0x3  }
0x96: {  	_ =	strace s3  }
0x97: {  	_ =	strace $0x8FFFFFFF  }
0x98: {  	s19 =	sld [smem:$0x3FDB];
	_ =	sdelay $0x1  }
0x99: {  	s4 =	simm.s32 $_scs_section_size  }
0x9a: {  	s5 =	simm.s32 $_size__tile_overlayer_lowered;
	s6 =	simm.s32 $_tile_overlayer_lowered  }
0x9b: {  	s22 =	simm.s32 $0x1BFF;
	s21 =	sshll.u32 s6, $0x1;
	s3 =	sadd.s32 s4, s19  }
0x9c: {  	s7 =	simm.s32 $0x0;
	s20 =	sshll.u32 s5, $0x1;
	s5 =	sadd.s32 s21, s3  }
0x9d: {  	[timem:s7], [sflag:s22] =	dma.local [hbm:s5], s20  }
0x9e: {  	_ =	swait.ge [sflag:s22], s20  }
0x9f: {  	s4 =	ssub.s32 $0x0, s20;
	[sflag:s22] =	ssyncset.done $0x0  }
0xa0: {  	[sflag:s22] =	ssyncadd.s32 s4;
	_ =	sdelay $0x1  }
0xa1: {  	s23 =	simm.s32 $0x1B8B  }
0xa2: {  	_ =	swait.ge [sflag:s23], $0x1  }
0xa3: {  	[sflag:s23] =	ssyncset.done $0x0  }
0xa4: {  	s25 =	simm.s32 $0x1B8E;
	s24 =	sld [smem:$0x3FFE];
	[sflag:s23] =	ssyncadd.s32 $0xFFFFFFFF  }
0xa5: {  	s26 =	simm.s32 $execute0_lowered;
	[smem:$0x3FD2] =	sst s25  }
0xa6: {  	s5 =	sshll.u32 s26, $0x1;
	_ =	strace $0x80000046;
	[dreg:$0x1] =	wrdreg $0xFFFFFFFF  }
0xa7: {  	s28 =	simm.s32 $_size_execute0_lowered;
	s3 =	sadd.s32 s3, s5;
	[dreg:$0x0] =	wrdreg $0x0  }
0xa8: {  	s5 =	sshll.u32 s28, $0x1;
	[dreg:$0x2] =	wrdreg s3  }
0xa9: {  	[dreg:$0x3] =	wrdreg s5  }
0xaa: {  	[dreg:$0x4] =	wrdreg $0xC0  }
0xab: {  	_ =	task [dreg:s7], $0x5FFFF  }
0xac: {  	[dreg:$0x1] =	wrdreg $0xFFFFFFFF  }
0xad: {  	[dreg:$0x0] =	wrdreg $0x60  }
0xae: {  	[dreg:$0x2] =	wrdreg s2  }
0xaf: {  	[dreg:$0x3] =	wrdreg s24  }
0xb0: {  	[dreg:$0x4] =	wrdreg $0xE4000  }
0xb1: {  	[dreg:$0x5] =	wrdreg $0x184000  }
0xb2: {  	[dreg:$0x6] =	wrdreg $0x9  }
0xb3: {  	_ =	task.clear_ibuf [dreg:s7], $0x7FFFF;
	_ =	strace $0x90000046  }
0xb4: {  	s29 =	simm.s32 $0x9;
	_ =	strace $0x80000048  }
0xb5: {  	_ =	swait.ge [sflag:s29], $0x1  }
0xb6: {  	[sflag:s29] =	ssyncadd.s32 $0xFFFFFFFF  }
0xb7: {  	_ =	strace $0x90000048  }
0xb8: {  	_ =	sfence  }
0xb9: {  	s30 =	sld [smem:$0x0];
	_ =	sdelay $0x2  }
0xba: {  	s31 =	sshll.u32 s1, $0xD;
	s1 =	sshrl.u32 s1, $0x2  }
0xbb: {  	s3 =	sand.u32 $0x4000, s31;
	s1 =	sadd.s32 s1, s30  }
0xbc: {  	s0 =	sor.u32 s3, s0;
	s1 =	sshll.u32 s1, $0x11  }
0xbd: {  	s0 =	sor.u32 s1, s0  }
0xbe: {  	s0 =	sadd.s32 $0x8F2B, s0  }
0xbf: {  	[sflag:s0] =	ssyncadd.remote.s32 $0x1  }
0xc0: {  	_ =	sfence.sel $0xFFFF  }
0xc1: {  	[dreg:$0x0] =	wrdreg $0xFFFFFFFF;
	(pc) =	sbr.abs _section_cstart, $3  }
0xc2: {  	[dreg:$0x1] =	wrdreg $0xFFFFFFFF  }
0xc3: {  	_ =	task.clear_ibuf [dreg:s7], $0x2FFFF;
	_ =	strace $0x9FFFFFFF  }
0xc4: {  	(tm) =	ssettm $0x7FFFFFFF  }
0xc5: {  	_ =	shalt  }
tec
execute0_lowered:
.L_overlay_start_1:
0x0: {  	(tag) =	ssettag $0x1  }
0x1: {  	s1 =	rddreg [dreg:$0x0]  }
0x2: {  	s0 =	rddreg [dreg:$0x1]  }
0x3: {  	s2 =	rddreg [dreg:$0x2]  }
0x4: {  	s4 =	rddreg [dreg:$0x3]  }
0x5: {  	s5 =	simm.s32 $0x0;
	s22 =	stileid.u32;
	s14 =	srdreg.scid  }
0x6: {  	s28 =	simm.s32 $0x280;
	s30 =	simm.s32 $0x100;
	s29 =	simm.s32 $0x5C00  }
0x7: {  	[smem:$0x7FF] =	sst s5;
	s3 =	smul.u32 $0xA000, s22;
	s6 =	sadd.s32 $0x1000, s0  }
0x8: {  	s7 =	sadd.s32 $0x1A000, s0;
	s11 =	smul.u32 $0x2800, s22;
	s8 =	sadd.s32 $0x15000, s0  }
0x9: {  	s9 =	sadd.s32 $0x29400, s0;
	s10 =	sadd.s32 $0x1F000, s0;
	s17 =	sand.u32 $0x1, s14  }
0xa: {  	s18 =	sadd.s32 $0x6A800, s0;
	s19 =	sadd.s32 $0x56800, s0;
	s20 =	sadd.s32 $0x51800, s0  }
0xb: {  	s23 =	sshll.u32 s22, $0x6;
	_ =	strace $0x80000047;
	s14 =	ssub.s32 $0x2, s17  }
0xc: {  	s23 =	sor.u32 $0x1C02, s23;
	p0 =	seq.s32 s17, $0x1;
	s17 =	simm.s32 $0x6400  }
0xd: {  	s12 =	sshrl.u32 s3, $0x3;
	s13 =	sshrl.u32 s11, $0x3;
	s21 =	sshrl.u32 s14, $0x1  }
0xe: {  	s3 =	sadd.s32 s3, s2;
	s11 =	sadd.s32 s11, s4;
	s18 =	smov.u32 @p0 s19  }
0xf: {  	s19 =	simm.s32 $0x2;
	[dreg:$0x6] =	wrdreg s23;
	s15 =	sadd.s32 s12, s0  }
0x10: {  	s16 =	sadd.s32 s13, s0;
	s0 =	sadd.s32 $0x4C800, s0;
	s21 =	ssub.s32 s14, s21  }
0x11: {  	s14 =	smul.u32 $0x5200, s22;
	s26 =	sadd.s32 s18, s12;
	s22 =	simm.s32 $0x80  }
0x12: {  	s18 =	simm.s32 $0x8400;
	s12 =	simm.s32 $0xC400;
	s15 =	sadd.s32 $0x33800, s15  }
0x13: {  	s24 =	sadd.s32 $0x47800, s16;
	s25 =	smax.u32 s21, $0x1;
	[dreg:$0x9] =	wrdreg s26  }
0x14: {  	s20 =	smov.u32 @p0 s0;
	s16 =	sshrl.u32 s11, $0x3;
	[dreg:$0x5] =	wrdreg s15  }
.Ltmp0:
0x15: {  	s21 =	simm.s32 $0x200;
	[dreg:$0x7] =	wrdreg s24;
	(pc) =	sbr.rel .LBB2_1-.Ltmp0, $4  }
0x16: {  	s0 =	simm.s32 $0x300;
	s11 =	simm.s32 $0x180;
	[dreg:$0x8] =	wrdreg s25  }
0x17: {  	s31 =	sadd.s32 s20, s13;
	s13 =	sshrl.u32 s3, $0x3;
	[dreg:$0xc] =	wrdreg s16  }
0x18: {  	s24 =	simm.s32 $0x1;
	s15 =	simm.s32 $0x380;
	[dreg:$0xa] =	wrdreg s31  }
0x19: {  	s20 =	simm.s32 $0xA400;
	s25 =	simm.s32 $0x0;
	[dreg:$0xb] =	wrdreg s13  }
.LBB2_10:
0x1a: {  	[bflag:$0x0] =	sbarrier.arrive $0xFFFF  }
0x1b: {  	s23 =	rddreg [dreg:$0x6]  }
0x1c: {  	s3 =	rddreg [dreg:$0x9]  }
0x1d: {  	s13 =	rddreg [dreg:$0xb]  }
0x1e: {  	[hbm:s3], [sflag:s23] =	dma.local [spmem:s13], $0x1400  }
0x1f: {  	_ =	swait.ge [sflag:s19], $0x1400  }
0x20: {  	[sflag:s19] =	ssyncset.done $0x0;
	s26 =	rddreg [dreg:$0xa]  }
0x21: {  	s16 =	rddreg [dreg:$0xc];
	[sflag:s19] =	ssyncadd.s32 $0xFFFFEC00  }
0x22: {  	[hbm:s26], [sflag:s23] =	dma.local [spmem:s16], $0x500  }
0x23: {  	_ =	swait.ge [sflag:s19], $0x500  }
0x24: {  	s25 =	rddreg [dreg:$0xd]  }
0x25: {  	s31 =	rddreg [dreg:$0x8];
	s25 =	sadd.s32 $0x1, s25  }
0x26: {  	p1 =	sne.s32 s25, s31  }
.Ltmp1:
0x27: {  	_ = 	snop;
	(pc) =	sbr.rel @!p1 .LBB2_11-.Ltmp1, $3  }
0x28: {  	_ =	sdelay $0x1  }
0x29: {  	[sflag:s19] =	ssyncset.done $0x0  }
0x2a: {  	[sflag:s19] =	ssyncadd.s32 $0xFFFFFB00  }
.LBB2_1:
0x2b: {  	[dreg:$0xd] =	wrdreg s25  }
0x2c: {  	s3 =	rddreg [dreg:$0x5]  }
0x2d: {  	[spmem:s13], [sflag:s23] =	dma.local [hbm:s3], $0x1400  }
0x2e: {  	_ =	swait.ge [sflag:s19], $0x1400  }
0x2f: {  	[sflag:s19] =	ssyncset.done $0x0  }
0x30: {  	s26 =	rddreg [dreg:$0x7];
	[sflag:s19] =	ssyncadd.s32 $0xFFFFEC00  }
0x31: {  	[spmem:s16], [sflag:s23] =	dma.local [hbm:s26], $0x500  }
.Ltmp2:
0x32: {  	_ =	swait.ge [sflag:s19], $0x500;
	(pc) =	sbr.rel .LBB2_2-.Ltmp2, $4  }
0x33: {  	[sflag:s19] =	ssyncset.done $0x0  }
0x34: {  	[sflag:s19] =	ssyncadd.s32 $0xFFFFFB00  }
0x35: {  	[bflag:$0x0] =	sbarrier.arrive $0xFFFF  }
0x36: {  	s31 =	simm.s32 $0x0  }
.LBB2_5:
0x37: {  	v5 =	vld [tilespmem:s13+$0x0];
	_ =	sdelay $0x1  }
0x38: {  	v0 =	vbroadcast v0, $0x0;
	v2 =	vmul.f32 v2, v1  }
0x39: {  	v62 =	vmul.f32 v1, v3  }
0x3a: {  	v63 =	vmul.f32 v0, v4;
	[tilespmem:s13+$0x30] =	vst v2  }
0x3b: {  	[tilespmem:s13+$0x20] =	vst v62;
	v0 =	vmul.f32 v0, v5  }
0x3c: {  	[tilespmem:s13+$0x10] =	vst v63  }
0x3d: {  	[tilespmem:s13+$0x0] =	vst v0  }
.LBB2_9:
0x3e: {  	[spmem:s2] =	stream.indirect.scatter.add.f32 [tilespmem:s17], [sflag:$0x2], $0x40, s21, s22, $0xb8;
	[tilespmem:$0x1AC00] =	vst v63  }
0x3f: {  	_ =	swait.ge [sflag:s19], $0x2000  }
0x40: {  	[sflag:s19] =	ssyncset.done $0x0  }
0x41: {  	s3 =	simm.s32 $0x4400;
	[sflag:s19] =	ssyncadd.s32 $0xFFFFE000  }
0x42: {  	[spmem:s4] =	stream.indirect.scatter.add.f32 [tilespmem:s3], [sflag:$0x2], $0x10, s21, s22, $0xb8;
	[tilespmem:$0x1AC00] =	vst v63  }
0x43: {  	_ =	swait.ge [sflag:s19], $0x800  }
0x44: {  	[sflag:s19] =	ssyncset.done $0x0  }
0x45: {  	[sflag:s19] =	ssyncadd.s32 $0xFFFFF800  }
0x46: {  	[spmem:s2] =	stream.indirect.scatter.add.f32 [tilespmem:s18], [sflag:$0x2], $0x40, s28, s22, $0xb8;
	[tilespmem:$0x1AC00] =	vst v63  }
0x47: {  	_ =	swait.ge [sflag:s19], $0x2000  }
0x48: {  	[sflag:s19] =	ssyncset.done $0x0  }
0x49: {  	s25 =	simm.s32 $0x4C00;
	[sflag:s19] =	ssyncadd.s32 $0xFFFFE000  }
0x4a: {  	[spmem:s4] =	stream.indirect.scatter.add.f32 [tilespmem:s25], [sflag:$0x2], $0x10, s28, s22, $0xb8;
	[tilespmem:$0x1AC00] =	vst v63  }
0x4b: {  	_ =	swait.ge [sflag:s19], $0x800  }
0x4c: {  	[sflag:s19] =	ssyncset.done $0x0  }
0x4d: {  	[sflag:s19] =	ssyncadd.s32 $0xFFFFF800  }
0x4e: {  	[spmem:s2] =	stream.indirect.scatter.add.f32 [tilespmem:s20], [sflag:$0x2], $0x40, s0, s22, $0xb8;
	[tilespmem:$0x1AC00] =	vst v63  }
0x4f: {  	_ =	swait.ge [sflag:s19], $0x2000  }
0x50: {  	[sflag:s19] =	ssyncset.done $0x0  }
0x51: {  	s26 =	simm.s32 $0x5400;
	[sflag:s19] =	ssyncadd.s32 $0xFFFFE000  }
0x52: {  	[spmem:s4] =	stream.indirect.scatter.add.f32 [tilespmem:s26], [sflag:$0x2], $0x10, s0, s22, $0xb8;
	[tilespmem:$0x1AC00] =	vst v63  }
0x53: {  	_ =	swait.ge [sflag:s19], $0x800  }
0x54: {  	[sflag:s19] =	ssyncset.done $0x0  }
0x55: {  	[sflag:s19] =	ssyncadd.s32 $0xFFFFF800  }
0x56: {  	[spmem:s2] =	stream.indirect.scatter.add.f32 [tilespmem:s12], [sflag:$0x2], $0x40, s15, s22, $0xb8;
	[tilespmem:$0x1AC00] =	vst v63  }
0x57: {  	s31 =	sadd.s32 $0x1, s31;
	_ =	swait.ge [sflag:s19], $0x2000  }
0x58: {  	p1 =	sne.s32 s31, $0x29;
	[sflag:s19] =	ssyncset.done $0x0  }
.Ltmp3:
0x59: {  	[sflag:s19] =	ssyncadd.s32 $0xFFFFE000;
	(pc) =	sbr.rel @!p1 .LBB2_10-.Ltmp3, $4  }
0x5a: {  	[spmem:s4] =	stream.indirect.scatter.add.f32 [tilespmem:s29], [sflag:$0x2], $0x10, s15, s22, $0xb8;
	[tilespmem:$0x1AC00] =	vst v63  }
0x5b: {  	_ =	swait.ge [sflag:s19], $0x800  }
0x5c: {  	[sflag:s19] =	ssyncset.done $0x0  }
0x5d: {  	[sflag:s19] =	ssyncadd.s32 $0xFFFFF800  }
.LBB2_2:
0x5e: {  	s3 =	sshll.u32 s31, $0x9  }
0x5f: {  	s3 =	sadd.s32 s14, s3  }
0x60: {  	s3 =	sshrl.u32 s3, $0x3  }
0x61: {  	s13 =	sadd.s32 s9, s3  }
0x62: {  	[tilespmem:s5], [sflag:$0x2] =	stream.linear.gather [hbm4b:s13+s5], $0x200, $0x38;
	[tilespmem:$0x1AC00] =	vst v63  }
0x63: {  	_ =	swait.ge [sflag:s19], $0x200  }
0x64: {  	[sflag:s19] =	ssyncset.done $0x0  }
0x65: {  	s3 =	sadd.s32 s10, s3;
	[sflag:s19] =	ssyncadd.s32 $0xFFFFFE00  }
0x66: {  	[tilespmem:s21], [sflag:$0x2] =	stream.linear.gather [hbm4b:s3+s5], $0x200, $0x38;
	[tilespmem:$0x1AC00] =	vst v63  }
0x67: {  	_ =	swait.ge [sflag:s19], $0x200  }
0x68: {  	[sflag:s19] =	ssyncset.done $0x0  }
0x69: {  	s23 =	simm.s32 $0x400;
	[sflag:s19] =	ssyncadd.s32 $0xFFFFFE00  }
0x6a: {  	[tilespmem:s23], [sflag:$0x1] =	stream.indirect.gather [hbm4b:s7+s22], $0x10, s5, s22, $0xb8;
	[tilespmem:$0x1AC00] =	vst v63  }
0x6b: {  	_ =	swait.ge [sflag:s24], $0x800  }
0x6c: {  	[sflag:s24] =	ssyncset.done $0x0  }
0x6d: {  	s25 =	simm.s32 $0x2400;
	[sflag:s24] =	ssyncadd.s32 $0xFFFFF800  }
0x6e: {  	[tilespmem:s25], [sflag:$0x1] =	stream.indirect.gather [hbm4b:s8+s22], $0x10, s21, s22, $0xb8;
	[tilespmem:$0x1AC00] =	vst v63  }
0x6f: {  	_ =	swait.ge [sflag:s24], $0x800  }
0x70: {  	[sflag:s24] =	ssyncset.done $0x0  }
0x71: {  	s26 =	simm.s32 $0xC00;
	[sflag:s24] =	ssyncadd.s32 $0xFFFFF800  }
0x72: {  	[tilespmem:s26], [sflag:$0x1] =	stream.indirect.gather [hbm4b:s7+s22], $0x10, s22, s22, $0xb8;
	[tilespmem:$0x1AC00] =	vst v63  }
0x73: {  	_ =	swait.ge [sflag:s24], $0x800  }
0x74: {  	[sflag:s24] =	ssyncset.done $0x0  }
0x75: {  	s13 =	simm.s32 $0x2C00;
	[sflag:s24] =	ssyncadd.s32 $0xFFFFF800  }
0x76: {  	[tilespmem:s13], [sflag:$0x1] =	stream.indirect.gather [hbm4b:s8+s22], $0x10, s28, s22, $0xb8;
	[tilespmem:$0x1AC00] =	vst v63  }
0x77: {  	_ =	swait.ge [sflag:s24], $0x800  }
0x78: {  	[sflag:s24] =	ssyncset.done $0x0  }
0x79: {  	s16 =	simm.s32 $0x1400;
	[sflag:s24] =	ssyncadd.s32 $0xFFFFF800  }
0x7a: {  	[tilespmem:s16], [sflag:$0x1] =	stream.indirect.gather [hbm4b:s7+s22], $0x10, s30, s22, $0xb8;
	[tilespmem:$0x1AC00] =	vst v63  }
0x7b: {  	_ =	swait.ge [sflag:s24], $0x800  }
0x7c: {  	[sflag:s24] =	ssyncset.done $0x0  }
0x7d: {  	s23 =	simm.s32 $0x3400;
	[sflag:s24] =	ssyncadd.s32 $0xFFFFF800  }
0x7e: {  	[tilespmem:s23], [sflag:$0x1] =	stream.indirect.gather [hbm4b:s8+s22], $0x10, s0, s22, $0xb8;
	[tilespmem:$0x1AC00] =	vst v63  }
0x7f: {  	_ =	swait.ge [sflag:s24], $0x800  }
0x80: {  	[sflag:s24] =	ssyncset.done $0x0  }
0x81: {  	s25 =	simm.s32 $0x1C00;
	[sflag:s24] =	ssyncadd.s32 $0xFFFFF800  }
0x82: {  	[tilespmem:s25], [sflag:$0x1] =	stream.indirect.gather [hbm4b:s7+s22], $0x10, s11, s22, $0xb8;
	[tilespmem:$0x1AC00] =	vst v63  }
0x83: {  	_ =	swait.ge [sflag:s24], $0x800  }
0x84: {  	[sflag:s24] =	ssyncset.done $0x0  }
.Ltmp4:
0x85: {  	s26 =	simm.s32 $0x3C00;
	[sflag:s24] =	ssyncadd.s32 $0xFFFFF800;
	(pc) =	sbr.rel @!p0 .LBB2_3-.Ltmp4, $4  }
0x86: {  	[tilespmem:s26], [sflag:$0x1] =	stream.indirect.gather [hbm4b:s8+s22], $0x10, s15, s22, $0xb8;
	[tilespmem:$0x1AC00] =	vst v63  }
0x87: {  	_ =	swait.ge [sflag:s24], $0x800  }
0x88: {  	[sflag:s24] =	ssyncset.done $0x0  }
0x89: {  	[sflag:s24] =	ssyncadd.s32 $0xFFFFF800  }
0x8a: {  	[tilespmem:s17], [sflag:$0x1] =	stream.indirect.gather [hbm4b:s6+s22], $0x40, s5, s22, $0xb8;
	[tilespmem:$0x1AC00] =	vst v63  }
0x8b: {  	_ =	swait.ge [sflag:s24], $0x2000  }
0x8c: {  	[sflag:s24] =	ssyncset.done $0x0  }
0x8d: {  	[sflag:s24] =	ssyncadd.s32 $0xFFFFE000  }
0x8e: {  	[tilespmem:s18], [sflag:$0x1] =	stream.indirect.gather [hbm4b:s6+s22], $0x40, s22, s22, $0xb8;
	[tilespmem:$0x1AC00] =	vst v63  }
0x8f: {  	_ =	swait.ge [sflag:s24], $0x2000  }
0x90: {  	[sflag:s24] =	ssyncset.done $0x0  }
0x91: {  	[sflag:s24] =	ssyncadd.s32 $0xFFFFE000  }
0x92: {  	[tilespmem:s20], [sflag:$0x1] =	stream.indirect.gather [hbm4b:s6+s22], $0x40, s30, s22, $0xb8;
	[tilespmem:$0x1AC00] =	vst v63  }
0x93: {  	_ =	swait.ge [sflag:s24], $0x2000  }
0x94: {  	[sflag:s24] =	ssyncset.done $0x0  }
0x95: {  	[sflag:s24] =	ssyncadd.s32 $0xFFFFE000  }
0x96: {  	[tilespmem:s12], [sflag:$0x1] =	stream.indirect.gather [hbm4b:s6+s22], $0x40, s11, s22, $0xb8;
	[tilespmem:$0x1AC00] =	vst v63  }
0x97: {  	_ =	swait.ge [sflag:s24], $0x2000  }
0x98: {  	[sflag:s24] =	ssyncset.done $0x0  }
0x99: {  	s23 =	simm.s32 $0x410;
	[sflag:s24] =	ssyncadd.s32 $0xFFFFE000  }
0x9a: {  	s3 =	simm.s32 $0x2410;
	v0 =	vld [tilespmem:s23+$0xFFFFFFF0]  }
0x9b: {  	v1 =	vld [tilespmem:s3+$0xFFFFFFF0];
	_ =	sdelay $0x4  }
0x9c: {  	v0 =	vadd.f32 v1, v0;
	_ =	sdelay $0x1  }
0x9d: {  	v1 =	vmul.f32 $2.000000030e-01, v0  }
0x9e: {  	vm0 =	vge.f32 v0, $0.0e+00  }
0x9f: {  	v0 =	vsel vm0, v0, v1  }
0xa0: {  	v0 =	vmul.f32 $1.442695020e+00, v0;
	_ =	sdelay $0x1  }
0xa1: {  	(erf) = vpow2.f32 v0;
	_ =	sdelay $0x8  }
0xa2: {  	s16 =	simm.s32 $0x4410;
	v0 =	vpop (erf)  }
0xa3: {  	s13 =	simm.s32 $0x6440;
	[tilespmem:s16+$0xFFFFFFF0] =	vst v0  }
0xa4: {  	v1 =	vld [tilespmem:s13+$0xFFFFFFF0]  }
0xa5: {  	v2 =	vld [tilespmem:s13+$0xFFFFFFE0]  }
0xa6: {  	v3 =	vld [tilespmem:s13+$0xFFFFFFD0]  }
0xa7: {  	v5 =	vbroadcast v0, $0x3;
	v4 =	vld [tilespmem:s13+$0xFFFFFFC0];
	_ =	sdelay $0x1  }
0xa8: {  	v0 =	vbroadcast v0, $0x2;
	v1 =	vmul.f32 v1, v5  }
0xa9: {  	v2 =	vmul.f32 v5, v2  }
0xaa: {  	v3 =	vmul.f32 v0, v3;
	[tilespmem:s13+$0xFFFFFFF0] =	vst v1  }
0xab: {  	v0 =	vmul.f32 v0, v4;
	[tilespmem:s13+$0xFFFFFFE0] =	vst v2  }
0xac: {  	[tilespmem:s13+$0xFFFFFFD0] =	vst v3  }
0xad: {  	[tilespmem:s13+$0xFFFFFFC0] =	vst v0  }
0xae: {  	v0 =	vld [tilespmem:s23+$0x0]  }
0xaf: {  	v1 =	vld [tilespmem:s3+$0x0];
	_ =	sdelay $0x4  }
0xb0: {  	v0 =	vadd.f32 v1, v0;
	_ =	sdelay $0x1  }
0xb1: {  	v1 =	vmul.f32 $2.000000030e-01, v0  }
0xb2: {  	vm15 =	vge.f32 v0, $0.0e+00  }
0xb3: {  	v0 =	vsel vm15, v0, v1  }
0xb4: {  	v0 =	vmul.f32 $1.442695020e+00, v0;
	_ =	sdelay $0x1  }
0xb5: {  	(erf) = vpow2.f32 v0;
	_ =	sdelay $0x8  }
0xb6: {  	v0 =	vpop (erf)  }
0xb7: {  	[tilespmem:s16+$0x0] =	vst v0  }
0xb8: {  	v2 =	vld [tilespmem:s13+$0x30]  }
0xb9: {  	v3 =	vld [tilespmem:s13+$0x20]  }
0xba: {  	s25 =	simm.s32 $0x430;
	s26 =	simm.s32 $0x64C0;
	s23 =	simm.s32 $0x0;
	v1 =	vbroadcast v0, $0x3;
	v4 =	vld [tilespmem:s13+$0x10]  }
.LBB2_7:
0xbb: {  	s23 =	sadd.s32 $0x2, s23;
	v5 =	vld [tilespmem:s13+$0x0];
	s16 =	sadd.s32 $0x20, s16;
	s3 =	sadd.s32 $0x20, s3  }
0xbc: {  	p1 =	slt.u32 s23, $0x1FE  }
0xbd: {  	v0 =	vbroadcast v0, $0x2;
	v2 =	vmul.f32 v2, v1  }
0xbe: {  	v1 =	vmul.f32 v1, v3  }
0xbf: {  	v3 =	vmul.f32 v0, v4;
	[tilespmem:s13+$0x30] =	vst v2  }
0xc0: {  	v0 =	vmul.f32 v0, v5;
	[tilespmem:s13+$0x20] =	vst v1  }
0xc1: {  	[tilespmem:s13+$0x10] =	vst v3  }
0xc2: {  	[tilespmem:s13+$0x0] =	vst v0;
	s13 =	smov.u32 s26  }
0xc3: {  	v0 =	vld [tilespmem:s25+$0xFFFFFFF0]  }
0xc4: {  	v1 =	vld [tilespmem:s3+$0xFFFFFFF0];
	_ =	sdelay $0x4  }
0xc5: {  	v0 =	vadd.f32 v1, v0;
	_ =	sdelay $0x1  }
0xc6: {  	v1 =	vmul.f32 $2.000000030e-01, v0  }
0xc7: {  	vm0 =	vge.f32 v0, $0.0e+00  }
0xc8: {  	v0 =	vsel vm0, v0, v1  }
0xc9: {  	v0 =	vmul.f32 $1.442695020e+00, v0;
	_ =	sdelay $0x1  }
0xca: {  	(erf) = vpow2.f32 v0;
	_ =	sdelay $0x8  }
0xcb: {  	v0 =	vpop (erf)  }
0xcc: {  	[tilespmem:s16+$0xFFFFFFF0] =	vst v0  }
0xcd: {  	v1 =	vld [tilespmem:s26+$0xFFFFFFF0]  }
0xce: {  	v2 =	vld [tilespmem:s26+$0xFFFFFFE0]  }
0xcf: {  	v3 =	vld [tilespmem:s26+$0xFFFFFFD0]  }
0xd0: {  	v5 =	vbroadcast v0, $0x3;
	v4 =	vld [tilespmem:s26+$0xFFFFFFC0];
	_ =	sdelay $0x1  }
0xd1: {  	v0 =	vbroadcast v0, $0x2;
	v1 =	vmul.f32 v1, v5  }
0xd2: {  	v2 =	vmul.f32 v5, v2  }
0xd3: {  	v3 =	vmul.f32 v0, v3;
	[tilespmem:s26+$0xFFFFFFF0] =	vst v1  }
0xd4: {  	v0 =	vmul.f32 v0, v4;
	[tilespmem:s26+$0xFFFFFFE0] =	vst v2  }
0xd5: {  	[tilespmem:s26+$0xFFFFFFD0] =	vst v3  }
0xd6: {  	[tilespmem:s26+$0xFFFFFFC0] =	vst v0  }
0xd7: {  	v0 =	vld [tilespmem:s25+$0x0]  }
0xd8: {  	v1 =	vld [tilespmem:s3+$0x0];
	_ =	sdelay $0x4  }
0xd9: {  	v0 =	vadd.f32 v1, v0;
	_ =	sdelay $0x1  }
0xda: {  	v1 =	vmul.f32 $2.000000030e-01, v0  }
0xdb: {  	vm0 =	vge.f32 v0, $0.0e+00  }
0xdc: {  	v0 =	vsel vm0, v0, v1  }
0xdd: {  	v0 =	vmul.f32 $1.442695020e+00, v0;
	_ =	sdelay $0x1  }
0xde: {  	(erf) = vpow2.f32 v0;
	_ =	sdelay $0x8  }
.Ltmp5:
0xdf: {  	v0 =	vpop (erf);
	(pc) =	sbr.rel @p1 .LBB2_7-.Ltmp5, $4  }
0xe0: {  	[tilespmem:s16+$0x0] =	vst v0;
	v1 =	vbroadcast v0, $0x3  }
0xe1: {  	v2 =	vld [tilespmem:s26+$0x30]  }
0xe2: {  	v3 =	vld [tilespmem:s26+$0x20]  }
0xe3: {  	s25 =	sadd.s32 $0x20, s25;
	s26 =	sadd.s32 $0x80, s26;
	v4 =	vld [tilespmem:s13+$0x10]  }
0xe4: {  	v5 =	vld [tilespmem:s13+$0x0];
	_ =	sdelay $0x1  }
0xe5: {  	v0 =	vbroadcast v0, $0x2;
	v2 =	vmul.f32 v2, v1  }
.Ltmp6:
0xe6: {  	v62 =	vmul.f32 v1, v3;
	(pc) =	sbr.rel .LBB2_9-.Ltmp6, $4  }
0xe7: {  	v63 =	vmul.f32 v0, v4;
	[tilespmem:s13+$0x30] =	vst v2  }
0xe8: {  	v0 =	vmul.f32 v0, v5;
	[tilespmem:s13+$0x20] =	vst v62  }
0xe9: {  	[tilespmem:s13+$0x10] =	vst v63  }
0xea: {  	[tilespmem:s13+$0x0] =	vst v0  }
.LBB2_3:
0xeb: {  	[tilespmem:s17], [sflag:$0x1] =	stream.indirect.gather [hbm4b:s1+s22], $0x40, s5, s22, $0xb8;
	[tilespmem:$0x1AC00] =	vst v63  }
0xec: {  	_ =	swait.ge [sflag:s24], $0x2000  }
0xed: {  	[sflag:s24] =	ssyncset.done $0x0  }
0xee: {  	[sflag:s24] =	ssyncadd.s32 $0xFFFFE000  }
0xef: {  	[tilespmem:s18], [sflag:$0x1] =	stream.indirect.gather [hbm4b:s1+s22], $0x40, s22, s22, $0xb8;
	[tilespmem:$0x1AC00] =	vst v63  }
0xf0: {  	_ =	swait.ge [sflag:s24], $0x2000  }
0xf1: {  	[sflag:s24] =	ssyncset.done $0x0  }
0xf2: {  	[sflag:s24] =	ssyncadd.s32 $0xFFFFE000  }
0xf3: {  	[tilespmem:s20], [sflag:$0x1] =	stream.indirect.gather [hbm4b:s1+s22], $0x40, s30, s22, $0xb8;
	[tilespmem:$0x1AC00] =	vst v63  }
0xf4: {  	_ =	swait.ge [sflag:s24], $0x2000  }
0xf5: {  	[sflag:s24] =	ssyncset.done $0x0  }
0xf6: {  	[sflag:s24] =	ssyncadd.s32 $0xFFFFE000  }
0xf7: {  	[tilespmem:s12], [sflag:$0x1] =	stream.indirect.gather [hbm4b:s1+s22], $0x40, s11, s22, $0xb8;
	[tilespmem:$0x1AC00] =	vst v63  }
0xf8: {  	_ =	swait.ge [sflag:s24], $0x2000  }
0xf9: {  	[sflag:s24] =	ssyncset.done $0x0  }
0xfa: {  	s23 =	simm.s32 $0x410;
	[sflag:s24] =	ssyncadd.s32 $0xFFFFE000  }
0xfb: {  	s3 =	simm.s32 $0x2410;
	v0 =	vld [tilespmem:s23+$0xFFFFFFF0]  }
0xfc: {  	v1 =	vld [tilespmem:s3+$0xFFFFFFF0];
	_ =	sdelay $0x4  }
0xfd: {  	v0 =	vadd.f32 v1, v0;
	_ =	sdelay $0x1  }
0xfe: {  	v1 =	vmul.f32 $2.000000030e-01, v0  }
0xff: {  	vm0 =	vge.f32 v0, $0.0e+00  }
0x100: {  	v0 =	vsel vm0, v0, v1  }
0x101: {  	v0 =	vmul.f32 $1.442695020e+00, v0;
	_ =	sdelay $0x1  }
0x102: {  	(erf) = vpow2.f32 v0;
	_ =	sdelay $0x8  }
0x103: {  	s16 =	simm.s32 $0x4410;
	v0 =	vpop (erf)  }
0x104: {  	s13 =	simm.s32 $0x6440;
	[tilespmem:s16+$0xFFFFFFF0] =	vst v0  }
0x105: {  	v1 =	vld [tilespmem:s13+$0xFFFFFFF0]  }
0x106: {  	v2 =	vld [tilespmem:s13+$0xFFFFFFE0]  }
0x107: {  	v3 =	vld [tilespmem:s13+$0xFFFFFFD0]  }
0x108: {  	v5 =	vbroadcast v0, $0x1;
	v4 =	vld [tilespmem:s13+$0xFFFFFFC0];
	_ =	sdelay $0x1  }
0x109: {  	v0 =	vbroadcast v0, $0x0;
	v1 =	vmul.f32 v1, v5  }
0x10a: {  	v2 =	vmul.f32 v5, v2  }
0x10b: {  	v3 =	vmul.f32 v0, v3;
	[tilespmem:s13+$0xFFFFFFF0] =	vst v1  }
0x10c: {  	v0 =	vmul.f32 v0, v4;
	[tilespmem:s13+$0xFFFFFFE0] =	vst v2  }
0x10d: {  	[tilespmem:s13+$0xFFFFFFD0] =	vst v3  }
0x10e: {  	[tilespmem:s13+$0xFFFFFFC0] =	vst v0  }
0x10f: {  	v0 =	vld [tilespmem:s23+$0x0]  }
0x110: {  	v1 =	vld [tilespmem:s3+$0x0];
	_ =	sdelay $0x4  }
0x111: {  	v0 =	vadd.f32 v1, v0;
	_ =	sdelay $0x1  }
0x112: {  	v1 =	vmul.f32 $2.000000030e-01, v0  }
0x113: {  	vm15 =	vge.f32 v0, $0.0e+00  }
0x114: {  	v0 =	vsel vm15, v0, v1  }
0x115: {  	v0 =	vmul.f32 $1.442695020e+00, v0;
	_ =	sdelay $0x1  }
0x116: {  	(erf) = vpow2.f32 v0;
	_ =	sdelay $0x8  }
0x117: {  	v0 =	vpop (erf)  }
0x118: {  	[tilespmem:s16+$0x0] =	vst v0  }
0x119: {  	v2 =	vld [tilespmem:s13+$0x30]  }
0x11a: {  	v3 =	vld [tilespmem:s13+$0x20]  }
0x11b: {  	s25 =	simm.s32 $0x430;
	s26 =	simm.s32 $0x64C0;
	s23 =	simm.s32 $0x0;
	v1 =	vbroadcast v0, $0x1;
	v4 =	vld [tilespmem:s13+$0x10]  }
.LBB2_4:
0x11c: {  	s23 =	sadd.s32 $0x2, s23;
	v5 =	vld [tilespmem:s13+$0x0];
	s16 =	sadd.s32 $0x20, s16;
	s3 =	sadd.s32 $0x20, s3  }
0x11d: {  	p1 =	slt.u32 s23, $0x1FE  }
0x11e: {  	v0 =	vbroadcast v0, $0x0;
	v2 =	vmul.f32 v2, v1  }
0x11f: {  	v1 =	vmul.f32 v1, v3  }
0x120: {  	v3 =	vmul.f32 v0, v4;
	[tilespmem:s13+$0x30] =	vst v2  }
0x121: {  	v0 =	vmul.f32 v0, v5;
	[tilespmem:s13+$0x20] =	vst v1  }
0x122: {  	[tilespmem:s13+$0x10] =	vst v3  }
0x123: {  	[tilespmem:s13+$0x0] =	vst v0;
	s13 =	smov.u32 s26  }
0x124: {  	v0 =	vld [tilespmem:s25+$0xFFFFFFF0]  }
0x125: {  	v1 =	vld [tilespmem:s3+$0xFFFFFFF0];
	_ =	sdelay $0x4  }
0x126: {  	v0 =	vadd.f32 v1, v0;
	_ =	sdelay $0x1  }
0x127: {  	v1 =	vmul.f32 $2.000000030e-01, v0  }
0x128: {  	vm0 =	vge.f32 v0, $0.0e+00  }
0x129: {  	v0 =	vsel vm0, v0, v1  }
0x12a: {  	v0 =	vmul.f32 $1.442695020e+00, v0;
	_ =	sdelay $0x1  }
0x12b: {  	(erf) = vpow2.f32 v0;
	_ =	sdelay $0x8  }
0x12c: {  	v0 =	vpop (erf)  }
0x12d: {  	[tilespmem:s16+$0xFFFFFFF0] =	vst v0  }
0x12e: {  	v1 =	vld [tilespmem:s26+$0xFFFFFFF0]  }
0x12f: {  	v2 =	vld [tilespmem:s26+$0xFFFFFFE0]  }
0x130: {  	v3 =	vld [tilespmem:s26+$0xFFFFFFD0]  }
0x131: {  	v5 =	vbroadcast v0, $0x1;
	v4 =	vld [tilespmem:s26+$0xFFFFFFC0];
	_ =	sdelay $0x1  }
0x132: {  	v0 =	vbroadcast v0, $0x0;
	v1 =	vmul.f32 v1, v5  }
0x133: {  	v2 =	vmul.f32 v5, v2  }
0x134: {  	v3 =	vmul.f32 v0, v3;
	[tilespmem:s26+$0xFFFFFFF0] =	vst v1  }
0x135: {  	v0 =	vmul.f32 v0, v4;
	[tilespmem:s26+$0xFFFFFFE0] =	vst v2  }
0x136: {  	[tilespmem:s26+$0xFFFFFFD0] =	vst v3  }
0x137: {  	[tilespmem:s26+$0xFFFFFFC0] =	vst v0  }
0x138: {  	v0 =	vld [tilespmem:s25+$0x0]  }
0x139: {  	v1 =	vld [tilespmem:s3+$0x0];
	_ =	sdelay $0x4  }
0x13a: {  	v0 =	vadd.f32 v1, v0;
	_ =	sdelay $0x1  }
0x13b: {  	v1 =	vmul.f32 $2.000000030e-01, v0  }
0x13c: {  	vm0 =	vge.f32 v0, $0.0e+00  }
0x13d: {  	v0 =	vsel vm0, v0, v1  }
0x13e: {  	v0 =	vmul.f32 $1.442695020e+00, v0;
	_ =	sdelay $0x1  }
0x13f: {  	(erf) = vpow2.f32 v0;
	_ =	sdelay $0x8  }
.Ltmp7:
0x140: {  	v0 =	vpop (erf);
	(pc) =	sbr.rel @p1 .LBB2_4-.Ltmp7, $4  }
0x141: {  	[tilespmem:s16+$0x0] =	vst v0;
	v1 =	vbroadcast v0, $0x1  }
0x142: {  	v2 =	vld [tilespmem:s26+$0x30]  }
0x143: {  	v3 =	vld [tilespmem:s26+$0x20]  }
0x144: {  	s25 =	sadd.s32 $0x20, s25;
	s26 =	sadd.s32 $0x80, s26;
	v4 =	vld [tilespmem:s13+$0x10]  }
.Ltmp8:
0x145: {  	_ = 	snop;
	(pc) =	sbr.rel .LBB2_5-.Ltmp8, $1  }
0x146: {  	_ =	sdelay $0x3  }
.LBB2_11:
0x147: {  	_ =	sfence.sel $0x180000  }
0x148: {  	[bflag:$0x0] =	sbarrier.arrive $0xFFFF  }
0x149: {  	_ =	strace $0x90000047  }
0x14a: {  	s0 =	stileid.u32;
	[bflag:$0x2] =	sbarrier.arrive $0xFFFF  }
0x14b: {  	p0 =	sne.s32 s0, $0x0;
	s0 =	rddreg [dreg:$0x4]  }
0x14c: {  	s0 =	sadd.s32 @!p0 $0x100000, s0  }
0x14d: {  	[sflag:s0] =	ssyncadd.tile.s32 @!p0 $0x1;
	_ =	shalt  }
.Lfunc_end2:
_tile_overlayer_lowered:
.L_overlay_start_2:
0x14e: {  	(tag) =	ssettag $0x2  }
0x14f: {  	s0 =	rddreg [dreg:$0x0];
	s2 =	stileid.u32  }
0x150: {  	s1 =	rddreg [dreg:$0x1];
	p0 =	sne.s32 s2, $0x0  }
0x151: {  	s3 =	rddreg [dreg:$0x2];
	[bflag:$0x3] =	sbarrier.arrive $0xFFFF;
	s2 =	simm.s32 @!p0 $0x1C02  }
0x152: {  	[timem:s3], [sflag:s2] =	dma.local @!p0 [hbm:s0], s1  }
0x153: {  	s0 =	simm.s32 @!p0 $0x2  }
0x154: {  	_ =	swait.ge @!p0 [sflag:s0], s1  }
0x155: {  	s1 =	ssub.s32 @!p0 $0x0, s1;
	[sflag:s0] =	ssyncset.done @!p0 $0x0  }
0x156: {  	[sflag:s0] =	ssyncadd.s32 @!p0 s1  }
0x157: {  	[bflag:$0x3] =	sbarrier.arrive $0xFFFF  }
0x158: {  	_ =	shalt  }

</sc_bundles>
